<compile_context>
chip_gen: v7x
topology: tpu7x:2x2x1
jax: 0.10.2.dev20260603
libtpu: 0.0.44.dev20260713+nightly
codegen_flags: <defaults>
</compile_context>

<pallas_src>
import jax
import jax.numpy as jnp
from jax import lax
from jax.experimental import pallas as pl
from jax.experimental.pallas import tpu as pltpu
from jax.experimental.pallas import tpu_sc as plsc

_VOCAB = 8192
_D = 768
_ALPHA = 0.1
_MASK_TOK = 2
_TILE = 2048

_NC, _NS, _L = 1, 8, 16
_NW = _NC * _NS
_BL = 2 * 2048
_XPW = _BL // _NW

_mesh = plsc.VectorSubcoreMesh(core_axis_name="c", subcore_axis_name="s", num_cores=1, num_subcores=8)


def _matvec_body(emb_ref, W_ref, b_ref, p_ref, bestv_ref, besti_ref):
    j = pl.program_id(0)
    nj = pl.num_programs(0)

    v = emb_ref[_MASK_TOK : _MASK_TOK + 1, :]
    s = (
        jax.lax.dot_general(
            v, W_ref[...], (((1,), (0,)), ((), ())),
            preferred_element_type=jnp.float32,
        )
        + b_ref[...]
    )

    m = jnp.max(s)
    idx = jax.lax.broadcasted_iota(jnp.int32, s.shape, 1)
    a = jnp.min(jnp.where(s == m, idx, _TILE))

    @pl.when(j == 0)
    def _():
        bestv_ref[0] = m
        besti_ref[0] = a

    @pl.when((j > 0) & (m > bestv_ref[0]))
    def _():
        bestv_ref[0] = m
        besti_ref[0] = j * _TILE + a

    @pl.when(j == nj - 1)
    def _():
        p_ref[...] = jnp.full((1, 128), besti_ref[0].astype(jnp.float32))


def _select_body(p_hbm, x_hbm, r_hbm, out_hbm, p_v, x_v, r_v, o_v,
                 semp, semx, semr):
    wid = lax.axis_index("s")
    row = wid // (2048 // _XPW)
    col = (wid % (2048 // _XPW)) * _XPW
    cp_p = pltpu.async_copy(p_hbm.at[0], p_v, semp)
    cp_x = pltpu.async_copy(x_hbm.at[row, pl.ds(col, _XPW)], x_v, semx)
    cp_r = pltpu.async_copy(r_hbm.at[row, pl.ds(col, _XPW)], r_v, semr)
    cp_p.wait()
    cp_x.wait()
    cp_r.wait()
    pb = p_v[pl.ds(0, _L)]

    for k in range(_XPW // _L):
        xk = x_v[pl.ds(k * _L, _L)]
        rk = r_v[pl.ds(k * _L, _L)]
        cond = (xk == jnp.float32(_MASK_TOK)) & (rk < jnp.float32(_ALPHA))
        o_v[pl.ds(k * _L, _L)] = jnp.where(cond, pb, xk)
    pltpu.sync_copy(o_v, out_hbm.at[row, pl.ds(col, _XPW)])


def kernel(X, rand_vals, emb, W, b):
    b2 = b.reshape(1, _VOCAB)
    p_row = pl.pallas_call(
        _matvec_body,
        grid=(_VOCAB // _TILE,),
        in_specs=[
            pl.BlockSpec((8, _D), lambda j: (0, 0)),
            pl.BlockSpec((_D, _TILE), lambda j: (0, j)),
            pl.BlockSpec((1, _TILE), lambda j: (0, j)),
        ],
        out_specs=pl.BlockSpec((1, 128), lambda j: (0, 0)),
        out_shape=jax.ShapeDtypeStruct((1, 128), jnp.float32),
        scratch_shapes=[
            pltpu.SMEM((1,), jnp.float32),
            pltpu.SMEM((1,), jnp.int32),
        ],
    )(emb, W, b2)

    out = pl.kernel(
        _select_body,
        out_type=jax.ShapeDtypeStruct(X.shape, jnp.float32),
        mesh=_mesh,
        scratch_types=[
            pltpu.VMEM((128,), jnp.float32),
            pltpu.VMEM((_XPW,), jnp.float32),
            pltpu.VMEM((_XPW,), jnp.float32),
            pltpu.VMEM((_XPW,), jnp.float32),
            pltpu.SemaphoreType.DMA,
            pltpu.SemaphoreType.DMA,
            pltpu.SemaphoreType.DMA,
        ],
    )(p_row, X, rand_vals)
    return out

# --- scband reference (transcript-rebuilt; emitter-appended) ---
"""Pipeline reference for scband-unmasker-16389595201544 (READ-ONLY COPY).

The authoritative reference and input builder live on the scoring server;
editing this copy changes nothing except your own understanding.
"""

import jax, jax.numpy as jnp
import numpy as np

B = 2
L = 2048
VOCAB = 8192
D = 768
ALPHA = 0.1


def setup_inputs(seed: int = 0) -> dict:
    key = jax.random.key(seed)
    k1, k2, k3, k4, k5 = jax.random.split(key, 5)
    # X: float-encoded token ids; some fraction set to the mask token value 2.0
    X = jax.random.randint(k1, (B, L), 0, VOCAB).astype(jnp.float32)
    mask_sel = jax.random.uniform(k2, (B, L)) < 0.15
    X = jnp.where(mask_sel, jnp.float32(2.0), X)
    # rand_vals: deterministic stand-in for torch.rand_like(X) used for the alpha mask
    rand_vals = jax.random.uniform(k3, (B, L), dtype=jnp.float32)
    # Wrapped model parameters (embedding lookup + linear head to vocab logits)
    emb = jax.random.normal(k4, (VOCAB, D), dtype=jnp.float32) * 0.02
    W = jax.random.normal(k5, (D, VOCAB), dtype=jnp.float32) * 0.02
    b = jnp.zeros((VOCAB,), dtype=jnp.float32)
    return {"X": X, "rand_vals": rand_vals, "emb": emb, "W": W, "b": b}


def reference(X, rand_vals, emb, W, b):
    # self.model(X): embedding gather + linear projection -> logits [B, L, VOCAB]
    tok = X.astype(jnp.int32)
    h = jnp.take(emb, tok, axis=0)            # gather: [B, L, D]
    y_pred = h @ W + b                        # [B, L, VOCAB]
    # mask = torch.rand_like(X) < alpha
    mask = rand_vals < ALPHA
    # cond = torch.isclose(X, 2) & mask
    cond = jnp.isclose(X, jnp.float32(2.0)) & mask
    # X_unmasked[cond] = y_pred[cond].argmax(dim=2)  (masked scatter-overwrite)
    preds = jnp.argmax(y_pred, axis=2).astype(X.dtype)
    X_unmasked = jnp.where(cond, preds, X)
    return X_unmasked

if __name__ == "__main__":
    import jax
    _d = setup_inputs()
    print(jax.jit(kernel)(*tuple(_d.values())))

</pallas_src>

<mosaic_0001>
#map = affine_map<(d0, d1) -> (0, 0)>
module attributes {stable_mosaic.version = 14 : i64} {
  func.func @_select_body(%arg0: i32, %arg1: i32, %arg2: memref<1x128xf32, #tpu.memory_space<hbm>>, %arg3: memref<2x2048xf32, #tpu.memory_space<hbm>>, %arg4: memref<2x2048xf32, #tpu.memory_space<hbm>>, %arg5: memref<2x2048xf32, #tpu.memory_space<hbm>>, %arg6: memref<128xf32, #tpu.memory_space<vmem>>, %arg7: memref<512xf32, #tpu.memory_space<vmem>>, %arg8: memref<512xf32, #tpu.memory_space<vmem>>, %arg9: memref<512xf32, #tpu.memory_space<vmem>>, %arg10: memref<!tpu.dma_semaphore, #tpu.memory_space<semaphore_mem>>, %arg11: memref<!tpu.dma_semaphore, #tpu.memory_space<semaphore_mem>>, %arg12: memref<!tpu.dma_semaphore, #tpu.memory_space<semaphore_mem>>) attributes {dimension_semantics = [#tpu.dimension_semantics<core_parallel>, #tpu.dimension_semantics<subcore_parallel>], iteration_bounds = array<i64: 1, 8>, scalar_prefetch = 0 : i64, scratch_operands = 7 : i64, tpu.core_type = #tpu.core_type<sc_vector_subcore>, window_params = [{transform_indices = #map}, {transform_indices = #map}, {transform_indices = #map}, {transform_indices = #map}]} {
    %jit3A = arith.constant 4 : i32
    %div3A = arith.divsi %arg1, %jit3A : i32
    %sign3A = arith.constant 0 : i32
    %sign3A_0 = arith.cmpi sgt, %arg1, %sign3A : i32
    %sign3A_1 = arith.extui %sign3A_0 : i1 to i32
    %sign3A_2 = arith.constant 0 : i32
    %sign3A_3 = arith.cmpi slt, %arg1, %sign3A_2 : i32
    %sign3A_4 = arith.extui %sign3A_3 : i1 to i32
    %sign3A_5 = arith.subi %sign3A_1, %sign3A_4 : i32
    %sign3A_6 = arith.constant 0 : i32
    %sign3A_7 = arith.cmpi sgt, %jit3A, %sign3A_6 : i32
    %sign3A_8 = arith.extui %sign3A_7 : i1 to i32
    %sign3A_9 = arith.constant 0 : i32
    %sign3A_10 = arith.cmpi slt, %jit3A, %sign3A_9 : i32
    %sign3A_11 = arith.extui %sign3A_10 : i1 to i32
    %sign3A_12 = arith.subi %sign3A_8, %sign3A_11 : i32
    %ne3A = arith.cmpi ne, %sign3A_5, %sign3A_12 : i32
    %rem3A = arith.remsi %arg1, %jit3A : i32
    %ne3A_13 = arith.constant 0 : i32
    %ne3A_14 = arith.cmpi ne, %rem3A, %ne3A_13 : i32
    %and3A = arith.andi %ne3A, %ne3A_14 : i1
    %sub3A = arith.constant 1 : i32
    %sub3A_15 = arith.subi %div3A, %sub3A : i32
    %select_n3A = arith.select %and3A, %sub3A_15, %div3A : i32
    %jit3A_16 = arith.constant 4 : i32
    %eq3A = arith.constant 0 : i32
    %eq3A_17 = arith.cmpi eq, %jit3A_16, %eq3A : i32
    %jit3A_18 = arith.constant 1 : i32
    %select_n3A_19 = arith.select %eq3A_17, %jit3A_18, %jit3A_16 : i32
    %rem3A_20 = arith.remsi %arg1, %select_n3A_19 : i32
    %ne3A_21 = arith.constant 0 : i32
    %ne3A_22 = arith.cmpi ne, %rem3A_20, %ne3A_21 : i32
    %lt3A = arith.constant 0 : i32
    %lt3A_23 = arith.cmpi slt, %rem3A_20, %lt3A : i32
    %lt3A_24 = arith.constant 0 : i32
    %lt3A_25 = arith.cmpi slt, %select_n3A_19, %lt3A_24 : i32
    %ne3A_26 = arith.xori %lt3A_23, %lt3A_25 : i1
    %and3A_27 = arith.andi %ne3A_26, %ne3A_22 : i1
    %add3A = arith.addi %rem3A_20, %select_n3A_19 : i32
    %select_n3A_28 = arith.select %and3A_27, %add3A, %rem3A_20 : i32
    %mul3A = arith.constant 512 : i32
    %mul3A_29 = arith.muli %select_n3A_28, %mul3A : i32
    %dma_start3A = arith.constant 0 : i32
    %dma_start3A_30 = arith.constant 0 : i32
    %dma_start3A_31 = tpu.memref_slice %arg2[%dma_start3A, %dma_start3A_30] : memref<1x128xf32, #tpu.memory_space<hbm>> -> memref<1x128xf32, #tpu.memory_space<hbm>>
    %dma_start3A_32 = tpu.memref_squeeze %dma_start3A_31 : memref<1x128xf32, #tpu.memory_space<hbm>> -> memref<128xf32, #tpu.memory_space<hbm>>
    %dma_start3A_33 = arith.constant 0 : i32
    %dma_start3A_34 = tpu.memref_slice %arg2[%dma_start3A, %dma_start3A_33] : memref<1x128xf32, #tpu.memory_space<hbm>> -> memref<1x128xf32, #tpu.memory_space<hbm>>
    %dma_start3A_35 = tpu.memref_squeeze %dma_start3A_34 : memref<1x128xf32, #tpu.memory_space<hbm>> -> memref<128xf32, #tpu.memory_space<hbm>>
    tpu.enqueue_dma source(%dma_start3A_35 : memref<128xf32, #tpu.memory_space<hbm>>) target(%arg6 : memref<128xf32, #tpu.memory_space<vmem>>) target_semaphore(%arg10 : memref<!tpu.dma_semaphore, #tpu.memory_space<semaphore_mem>>)
    %dma_start3A_36 = tpu.memref_slice %arg3[%select_n3A, %mul3A_29] : memref<2x2048xf32, #tpu.memory_space<hbm>> -> memref<1x512xf32, #tpu.memory_space<hbm>>
    %dma_start3A_37 = tpu.memref_squeeze %dma_start3A_36 : memref<1x512xf32, #tpu.memory_space<hbm>> -> memref<512xf32, #tpu.memory_space<hbm>>
    %dma_start3A_38 = tpu.memref_slice %arg3[%select_n3A, %mul3A_29] : memref<2x2048xf32, #tpu.memory_space<hbm>> -> memref<1x512xf32, #tpu.memory_space<hbm>>
    %dma_start3A_39 = tpu.memref_squeeze %dma_start3A_38 : memref<1x512xf32, #tpu.memory_space<hbm>> -> memref<512xf32, #tpu.memory_space<hbm>>
    tpu.enqueue_dma source(%dma_start3A_39 : memref<512xf32, #tpu.memory_space<hbm>>) target(%arg7 : memref<512xf32, #tpu.memory_space<vmem>>) target_semaphore(%arg11 : memref<!tpu.dma_semaphore, #tpu.memory_space<semaphore_mem>>)
    %dma_start3A_40 = tpu.memref_slice %arg4[%select_n3A, %mul3A_29] : memref<2x2048xf32, #tpu.memory_space<hbm>> -> memref<1x512xf32, #tpu.memory_space<hbm>>
    %dma_start3A_41 = tpu.memref_squeeze %dma_start3A_40 : memref<1x512xf32, #tpu.memory_space<hbm>> -> memref<512xf32, #tpu.memory_space<hbm>>
    %dma_start3A_42 = tpu.memref_slice %arg4[%select_n3A, %mul3A_29] : memref<2x2048xf32, #tpu.memory_space<hbm>> -> memref<1x512xf32, #tpu.memory_space<hbm>>
    %dma_start3A_43 = tpu.memref_squeeze %dma_start3A_42 : memref<1x512xf32, #tpu.memory_space<hbm>> -> memref<512xf32, #tpu.memory_space<hbm>>
    tpu.enqueue_dma source(%dma_start3A_43 : memref<512xf32, #tpu.memory_space<hbm>>) target(%arg8 : memref<512xf32, #tpu.memory_space<vmem>>) target_semaphore(%arg12 : memref<!tpu.dma_semaphore, #tpu.memory_space<semaphore_mem>>)
    %dma_wait3A = arith.constant 0 : i32
    %dma_wait3A_44 = arith.constant 0 : i32
    %dma_wait3A_45 = tpu.memref_slice %arg2[%dma_wait3A, %dma_wait3A_44] : memref<1x128xf32, #tpu.memory_space<hbm>> -> memref<1x128xf32, #tpu.memory_space<hbm>>
    %dma_wait3A_46 = tpu.memref_squeeze %dma_wait3A_45 : memref<1x128xf32, #tpu.memory_space<hbm>> -> memref<128xf32, #tpu.memory_space<hbm>>
    %dma_wait3A_47 = arith.constant 0 : i32
    %dma_wait3A_48 = tpu.memref_slice %arg2[%dma_wait3A, %dma_wait3A_47] : memref<1x128xf32, #tpu.memory_space<hbm>> -> memref<1x128xf32, #tpu.memory_space<hbm>>
    %dma_wait3A_49 = tpu.memref_squeeze %dma_wait3A_48 : memref<1x128xf32, #tpu.memory_space<hbm>> -> memref<128xf32, #tpu.memory_space<hbm>>
    tpu.wait_dma2 semaphore(%arg10 : memref<!tpu.dma_semaphore, #tpu.memory_space<semaphore_mem>>) src(%dma_wait3A_49 : memref<128xf32, #tpu.memory_space<hbm>>) dst(%arg6 : memref<128xf32, #tpu.memory_space<vmem>>)
    %dma_wait3A_50 = tpu.memref_slice %arg3[%select_n3A, %mul3A_29] : memref<2x2048xf32, #tpu.memory_space<hbm>> -> memref<1x512xf32, #tpu.memory_space<hbm>>
    %dma_wait3A_51 = tpu.memref_squeeze %dma_wait3A_50 : memref<1x512xf32, #tpu.memory_space<hbm>> -> memref<512xf32, #tpu.memory_space<hbm>>
    %dma_wait3A_52 = tpu.memref_slice %arg3[%select_n3A, %mul3A_29] : memref<2x2048xf32, #tpu.memory_space<hbm>> -> memref<1x512xf32, #tpu.memory_space<hbm>>
    %dma_wait3A_53 = tpu.memref_squeeze %dma_wait3A_52 : memref<1x512xf32, #tpu.memory_space<hbm>> -> memref<512xf32, #tpu.memory_space<hbm>>
    tpu.wait_dma2 semaphore(%arg11 : memref<!tpu.dma_semaphore, #tpu.memory_space<semaphore_mem>>) src(%dma_wait3A_53 : memref<512xf32, #tpu.memory_space<hbm>>) dst(%arg7 : memref<512xf32, #tpu.memory_space<vmem>>)
    %dma_wait3A_54 = tpu.memref_slice %arg4[%select_n3A, %mul3A_29] : memref<2x2048xf32, #tpu.memory_space<hbm>> -> memref<1x512xf32, #tpu.memory_space<hbm>>
    %dma_wait3A_55 = tpu.memref_squeeze %dma_wait3A_54 : memref<1x512xf32, #tpu.memory_space<hbm>> -> memref<512xf32, #tpu.memory_space<hbm>>
    %dma_wait3A_56 = tpu.memref_slice %arg4[%select_n3A, %mul3A_29] : memref<2x2048xf32, #tpu.memory_space<hbm>> -> memref<1x512xf32, #tpu.memory_space<hbm>>
    %dma_wait3A_57 = tpu.memref_squeeze %dma_wait3A_56 : memref<1x512xf32, #tpu.memory_space<hbm>> -> memref<512xf32, #tpu.memory_space<hbm>>
    tpu.wait_dma2 semaphore(%arg12 : memref<!tpu.dma_semaphore, #tpu.memory_space<semaphore_mem>>) src(%dma_wait3A_57 : memref<512xf32, #tpu.memory_space<hbm>>) dst(%arg8 : memref<512xf32, #tpu.memory_space<vmem>>)
    %get3A = arith.constant 0 : index
    %get3A_58 = tpu.vector_load %arg6[%get3A] {strides = array<i32>} : memref<128xf32, #tpu.memory_space<vmem>>, vector<16xf32>,
    %get3A_59 = vector.shape_cast %get3A_58 : vector<16xf32> to vector<16xf32>
    %get3A_60 = arith.constant 0 : index
    %get3A_61 = tpu.vector_load %arg7[%get3A_60] {strides = array<i32>} : memref<512xf32, #tpu.memory_space<vmem>>, vector<16xf32>,
    %get3A_62 = vector.shape_cast %get3A_61 : vector<16xf32> to vector<16xf32>
    %get3A_63 = arith.constant 0 : index
    %get3A_64 = tpu.vector_load %arg8[%get3A_63] {strides = array<i32>} : memref<512xf32, #tpu.memory_space<vmem>>, vector<16xf32>,
    %get3A_65 = vector.shape_cast %get3A_64 : vector<16xf32> to vector<16xf32>
    %eq3A_66 = arith.constant 2.000000e+00 : f32
    %eq3A_67 = vector.broadcast %eq3A_66 : f32 to vector<16xf32>
    %eq3A_68 = arith.cmpf oeq, %get3A_62, %eq3A_67 : vector<16xf32>
    %lt3A_69 = arith.constant 1.000000e-01 : f32
    %lt3A_70 = vector.broadcast %lt3A_69 : f32 to vector<16xf32>
    %lt3A_71 = arith.cmpf olt, %get3A_65, %lt3A_70 : vector<16xf32>
    %and3A_72 = arith.andi %eq3A_68, %lt3A_71 : vector<16xi1>
    %select_n3A_73 = arith.select %and3A_72, %get3A_59, %get3A_62 : vector<16xi1>, vector<16xf32>
    %swap3A = arith.constant 0 : index
    %swap3A_74 = tpu.vector_load %arg9[%swap3A] {strides = array<i32>} : memref<512xf32, #tpu.memory_space<vmem>>, vector<16xf32>,
    %swap3A_75 = vector.shape_cast %swap3A_74 : vector<16xf32> to vector<16xf32>
    %swap3A_76 = vector.shape_cast %select_n3A_73 : vector<16xf32> to vector<16xf32>
    tpu.vector_store %arg9[%swap3A], %swap3A_76 {strides = array<i32>} : memref<512xf32, #tpu.memory_space<vmem>>, vector<16xf32>,
    %get3A_77 = arith.constant 16 : index
    %get3A_78 = tpu.vector_load %arg7[%get3A_77] {strides = array<i32>} : memref<512xf32, #tpu.memory_space<vmem>>, vector<16xf32>,
    %get3A_79 = vector.shape_cast %get3A_78 : vector<16xf32> to vector<16xf32>
    %get3A_80 = arith.constant 16 : index
    %get3A_81 = tpu.vector_load %arg8[%get3A_80] {strides = array<i32>} : memref<512xf32, #tpu.memory_space<vmem>>, vector<16xf32>,
    %get3A_82 = vector.shape_cast %get3A_81 : vector<16xf32> to vector<16xf32>
    %eq3A_83 = arith.constant 2.000000e+00 : f32
    %eq3A_84 = vector.broadcast %eq3A_83 : f32 to vector<16xf32>
    %eq3A_85 = arith.cmpf oeq, %get3A_79, %eq3A_84 : vector<16xf32>
    %lt3A_86 = arith.constant 1.000000e-01 : f32
    %lt3A_87 = vector.broadcast %lt3A_86 : f32 to vector<16xf32>
    %lt3A_88 = arith.cmpf olt, %get3A_82, %lt3A_87 : vector<16xf32>
    %and3A_89 = arith.andi %eq3A_85, %lt3A_88 : vector<16xi1>
    %select_n3A_90 = arith.select %and3A_89, %get3A_59, %get3A_79 : vector<16xi1>, vector<16xf32>
    %swap3A_91 = arith.constant 16 : index
    %swap3A_92 = tpu.vector_load %arg9[%swap3A_91] {strides = array<i32>} : memref<512xf32, #tpu.memory_space<vmem>>, vector<16xf32>,
    %swap3A_93 = vector.shape_cast %swap3A_92 : vector<16xf32> to vector<16xf32>
    %swap3A_94 = vector.shape_cast %select_n3A_90 : vector<16xf32> to vector<16xf32>
    tpu.vector_store %arg9[%swap3A_91], %swap3A_94 {strides = array<i32>} : memref<512xf32, #tpu.memory_space<vmem>>, vector<16xf32>,
    %get3A_95 = arith.constant 32 : index
    %get3A_96 = tpu.vector_load %arg7[%get3A_95] {strides = array<i32>} : memref<512xf32, #tpu.memory_space<vmem>>, vector<16xf32>,
    %get3A_97 = vector.shape_cast %get3A_96 : vector<16xf32> to vector<16xf32>
    %get3A_98 = arith.constant 32 : index
    %get3A_99 = tpu.vector_load %arg8[%get3A_98] {strides = array<i32>} : memref<512xf32, #tpu.memory_space<vmem>>, vector<16xf32>,
    %get3A_100 = vector.shape_cast %get3A_99 : vector<16xf32> to vector<16xf32>
    %eq3A_101 = arith.constant 2.000000e+00 : f32
    %eq3A_102 = vector.broadcast %eq3A_101 : f32 to vector<16xf32>
    %eq3A_103 = arith.cmpf oeq, %get3A_97, %eq3A_102 : vector<16xf32>
    %lt3A_104 = arith.constant 1.000000e-01 : f32
    %lt3A_105 = vector.broadcast %lt3A_104 : f32 to vector<16xf32>
    %lt3A_106 = arith.cmpf olt, %get3A_100, %lt3A_105 : vector<16xf32>
    %and3A_107 = arith.andi %eq3A_103, %lt3A_106 : vector<16xi1>
    %select_n3A_108 = arith.select %and3A_107, %get3A_59, %get3A_97 : vector<16xi1>, vector<16xf32>
    %swap3A_109 = arith.constant 32 : index
    %swap3A_110 = tpu.vector_load %arg9[%swap3A_109] {strides = array<i32>} : memref<512xf32, #tpu.memory_space<vmem>>, vector<16xf32>,
    %swap3A_111 = vector.shape_cast %swap3A_110 : vector<16xf32> to vector<16xf32>
    %swap3A_112 = vector.shape_cast %select_n3A_108 : vector<16xf32> to vector<16xf32>
    tpu.vector_store %arg9[%swap3A_109], %swap3A_112 {strides = array<i32>} : memref<512xf32, #tpu.memory_space<vmem>>, vector<16xf32>,
    %get3A_113 = arith.constant 48 : index
    %get3A_114 = tpu.vector_load %arg7[%get3A_113] {strides = array<i32>} : memref<512xf32, #tpu.memory_space<vmem>>, vector<16xf32>,
    %get3A_115 = vector.shape_cast %get3A_114 : vector<16xf32> to vector<16xf32>
    %get3A_116 = arith.constant 48 : index
    %get3A_117 = tpu.vector_load %arg8[%get3A_116] {strides = array<i32>} : memref<512xf32, #tpu.memory_space<vmem>>, vector<16xf32>,
    %get3A_118 = vector.shape_cast %get3A_117 : vector<16xf32> to vector<16xf32>
    %eq3A_119 = arith.constant 2.000000e+00 : f32
    %eq3A_120 = vector.broadcast %eq3A_119 : f32 to vector<16xf32>
    %eq3A_121 = arith.cmpf oeq, %get3A_115, %eq3A_120 : vector<16xf32>
    %lt3A_122 = arith.constant 1.000000e-01 : f32
    %lt3A_123 = vector.broadcast %lt3A_122 : f32 to vector<16xf32>
    %lt3A_124 = arith.cmpf olt, %get3A_118, %lt3A_123 : vector<16xf32>
    %and3A_125 = arith.andi %eq3A_121, %lt3A_124 : vector<16xi1>
    %select_n3A_126 = arith.select %and3A_125, %get3A_59, %get3A_115 : vector<16xi1>, vector<16xf32>
    %swap3A_127 = arith.constant 48 : index
    %swap3A_128 = tpu.vector_load %arg9[%swap3A_127] {strides = array<i32>} : memref<512xf32, #tpu.memory_space<vmem>>, vector<16xf32>,
    %swap3A_129 = vector.shape_cast %swap3A_128 : vector<16xf32> to vector<16xf32>
    %swap3A_130 = vector.shape_cast %select_n3A_126 : vector<16xf32> to vector<16xf32>
    tpu.vector_store %arg9[%swap3A_127], %swap3A_130 {strides = array<i32>} : memref<512xf32, #tpu.memory_space<vmem>>, vector<16xf32>,
    %get3A_131 = arith.constant 64 : index
    %get3A_132 = tpu.vector_load %arg7[%get3A_131] {strides = array<i32>} : memref<512xf32, #tpu.memory_space<vmem>>, vector<16xf32>,
    %get3A_133 = vector.shape_cast %get3A_132 : vector<16xf32> to vector<16xf32>
    %get3A_134 = arith.constant 64 : index
    %get3A_135 = tpu.vector_load %arg8[%get3A_134] {strides = array<i32>} : memref<512xf32, #tpu.memory_space<vmem>>, vector<16xf32>,
    %get3A_136 = vector.shape_cast %get3A_135 : vector<16xf32> to vector<16xf32>
    %eq3A_137 = arith.constant 2.000000e+00 : f32
    %eq3A_138 = vector.broadcast %eq3A_137 : f32 to vector<16xf32>
    %eq3A_139 = arith.cmpf oeq, %get3A_133, %eq3A_138 : vector<16xf32>
    %lt3A_140 = arith.constant 1.000000e-01 : f32
    %lt3A_141 = vector.broadcast %lt3A_140 : f32 to vector<16xf32>
    %lt3A_142 = arith.cmpf olt, %get3A_136, %lt3A_141 : vector<16xf32>
    %and3A_143 = arith.andi %eq3A_139, %lt3A_142 : vector<16xi1>
    %select_n3A_144 = arith.select %and3A_143, %get3A_59, %get3A_133 : vector<16xi1>, vector<16xf32>
    %swap3A_145 = arith.constant 64 : index
    %swap3A_146 = tpu.vector_load %arg9[%swap3A_145] {strides = array<i32>} : memref<512xf32, #tpu.memory_space<vmem>>, vector<16xf32>,
    %swap3A_147 = vector.shape_cast %swap3A_146 : vector<16xf32> to vector<16xf32>
    %swap3A_148 = vector.shape_cast %select_n3A_144 : vector<16xf32> to vector<16xf32>
    tpu.vector_store %arg9[%swap3A_145], %swap3A_148 {strides = array<i32>} : memref<512xf32, #tpu.memory_space<vmem>>, vector<16xf32>,
    %get3A_149 = arith.constant 80 : index
    %get3A_150 = tpu.vector_load %arg7[%get3A_149] {strides = array<i32>} : memref<512xf32, #tpu.memory_space<vmem>>, vector<16xf32>,
    %get3A_151 = vector.shape_cast %get3A_150 : vector<16xf32> to vector<16xf32>
    %get3A_152 = arith.constant 80 : index
    %get3A_153 = tpu.vector_load %arg8[%get3A_152] {strides = array<i32>} : memref<512xf32, #tpu.memory_space<vmem>>, vector<16xf32>,
    %get3A_154 = vector.shape_cast %get3A_153 : vector<16xf32> to vector<16xf32>
    %eq3A_155 = arith.constant 2.000000e+00 : f32
    %eq3A_156 = vector.broadcast %eq3A_155 : f32 to vector<16xf32>
    %eq3A_157 = arith.cmpf oeq, %get3A_151, %eq3A_156 : vector<16xf32>
    %lt3A_158 = arith.constant 1.000000e-01 : f32
    %lt3A_159 = vector.broadcast %lt3A_158 : f32 to vector<16xf32>
    %lt3A_160 = arith.cmpf olt, %get3A_154, %lt3A_159 : vector<16xf32>
    %and3A_161 = arith.andi %eq3A_157, %lt3A_160 : vector<16xi1>
    %select_n3A_162 = arith.select %and3A_161, %get3A_59, %get3A_151 : vector<16xi1>, vector<16xf32>
    %swap3A_163 = arith.constant 80 : index
    %swap3A_164 = tpu.vector_load %arg9[%swap3A_163] {strides = array<i32>} : memref<512xf32, #tpu.memory_space<vmem>>, vector<16xf32>,
    %swap3A_165 = vector.shape_cast %swap3A_164 : vector<16xf32> to vector<16xf32>
    %swap3A_166 = vector.shape_cast %select_n3A_162 : vector<16xf32> to vector<16xf32>
    tpu.vector_store %arg9[%swap3A_163], %swap3A_166 {strides = array<i32>} : memref<512xf32, #tpu.memory_space<vmem>>, vector<16xf32>,
    %get3A_167 = arith.constant 96 : index
    %get3A_168 = tpu.vector_load %arg7[%get3A_167] {strides = array<i32>} : memref<512xf32, #tpu.memory_space<vmem>>, vector<16xf32>,
    %get3A_169 = vector.shape_cast %get3A_168 : vector<16xf32> to vector<16xf32>
    %get3A_170 = arith.constant 96 : index
    %get3A_171 = tpu.vector_load %arg8[%get3A_170] {strides = array<i32>} : memref<512xf32, #tpu.memory_space<vmem>>, vector<16xf32>,
    %get3A_172 = vector.shape_cast %get3A_171 : vector<16xf32> to vector<16xf32>
    %eq3A_173 = arith.constant 2.000000e+00 : f32
    %eq3A_174 = vector.broadcast %eq3A_173 : f32 to vector<16xf32>
    %eq3A_175 = arith.cmpf oeq, %get3A_169, %eq3A_174 : vector<16xf32>
    %lt3A_176 = arith.constant 1.000000e-01 : f32
    %lt3A_177 = vector.broadcast %lt3A_176 : f32 to vector<16xf32>
    %lt3A_178 = arith.cmpf olt, %get3A_172, %lt3A_177 : vector<16xf32>
    %and3A_179 = arith.andi %eq3A_175, %lt3A_178 : vector<16xi1>
    %select_n3A_180 = arith.select %and3A_179, %get3A_59, %get3A_169 : vector<16xi1>, vector<16xf32>
    %swap3A_181 = arith.constant 96 : index
    %swap3A_182 = tpu.vector_load %arg9[%swap3A_181] {strides = array<i32>} : memref<512xf32, #tpu.memory_space<vmem>>, vector<16xf32>,
    %swap3A_183 = vector.shape_cast %swap3A_182 : vector<16xf32> to vector<16xf32>
    %swap3A_184 = vector.shape_cast %select_n3A_180 : vector<16xf32> to vector<16xf32>
    tpu.vector_store %arg9[%swap3A_181], %swap3A_184 {strides = array<i32>} : memref<512xf32, #tpu.memory_space<vmem>>, vector<16xf32>,
    %get3A_185 = arith.constant 112 : index
    %get3A_186 = tpu.vector_load %arg7[%get3A_185] {strides = array<i32>} : memref<512xf32, #tpu.memory_space<vmem>>, vector<16xf32>,
    %get3A_187 = vector.shape_cast %get3A_186 : vector<16xf32> to vector<16xf32>
    %get3A_188 = arith.constant 112 : index
    %get3A_189 = tpu.vector_load %arg8[%get3A_188] {strides = array<i32>} : memref<512xf32, #tpu.memory_space<vmem>>, vector<16xf32>,
    %get3A_190 = vector.shape_cast %get3A_189 : vector<16xf32> to vector<16xf32>
    %eq3A_191 = arith.constant 2.000000e+00 : f32
    %eq3A_192 = vector.broadcast %eq3A_191 : f32 to vector<16xf32>
    %eq3A_193 = arith.cmpf oeq, %get3A_187, %eq3A_192 : vector<16xf32>
    %lt3A_194 = arith.constant 1.000000e-01 : f32
    %lt3A_195 = vector.broadcast %lt3A_194 : f32 to vector<16xf32>
    %lt3A_196 = arith.cmpf olt, %get3A_190, %lt3A_195 : vector<16xf32>
    %and3A_197 = arith.andi %eq3A_193, %lt3A_196 : vector<16xi1>
    %select_n3A_198 = arith.select %and3A_197, %get3A_59, %get3A_187 : vector<16xi1>, vector<16xf32>
    %swap3A_199 = arith.constant 112 : index
    %swap3A_200 = tpu.vector_load %arg9[%swap3A_199] {strides = array<i32>} : memref<512xf32, #tpu.memory_space<vmem>>, vector<16xf32>,
    %swap3A_201 = vector.shape_cast %swap3A_200 : vector<16xf32> to vector<16xf32>
    %swap3A_202 = vector.shape_cast %select_n3A_198 : vector<16xf32> to vector<16xf32>
    tpu.vector_store %arg9[%swap3A_199], %swap3A_202 {strides = array<i32>} : memref<512xf32, #tpu.memory_space<vmem>>, vector<16xf32>,
    %get3A_203 = arith.constant 128 : index
    %get3A_204 = tpu.vector_load %arg7[%get3A_203] {strides = array<i32>} : memref<512xf32, #tpu.memory_space<vmem>>, vector<16xf32>,
    %get3A_205 = vector.shape_cast %get3A_204 : vector<16xf32> to vector<16xf32>
    %get3A_206 = arith.constant 128 : index
    %get3A_207 = tpu.vector_load %arg8[%get3A_206] {strides = array<i32>} : memref<512xf32, #tpu.memory_space<vmem>>, vector<16xf32>,
    %get3A_208 = vector.shape_cast %get3A_207 : vector<16xf32> to vector<16xf32>
    %eq3A_209 = arith.constant 2.000000e+00 : f32
    %eq3A_210 = vector.broadcast %eq3A_209 : f32 to vector<16xf32>
    %eq3A_211 = arith.cmpf oeq, %get3A_205, %eq3A_210 : vector<16xf32>
    %lt3A_212 = arith.constant 1.000000e-01 : f32
    %lt3A_213 = vector.broadcast %lt3A_212 : f32 to vector<16xf32>
    %lt3A_214 = arith.cmpf olt, %get3A_208, %lt3A_213 : vector<16xf32>
    %and3A_215 = arith.andi %eq3A_211, %lt3A_214 : vector<16xi1>
    %select_n3A_216 = arith.select %and3A_215, %get3A_59, %get3A_205 : vector<16xi1>, vector<16xf32>
    %swap3A_217 = arith.constant 128 : index
    %swap3A_218 = tpu.vector_load %arg9[%swap3A_217] {strides = array<i32>} : memref<512xf32, #tpu.memory_space<vmem>>, vector<16xf32>,
    %swap3A_219 = vector.shape_cast %swap3A_218 : vector<16xf32> to vector<16xf32>
    %swap3A_220 = vector.shape_cast %select_n3A_216 : vector<16xf32> to vector<16xf32>
    tpu.vector_store %arg9[%swap3A_217], %swap3A_220 {strides = array<i32>} : memref<512xf32, #tpu.memory_space<vmem>>, vector<16xf32>,
    %get3A_221 = arith.constant 144 : index
    %get3A_222 = tpu.vector_load %arg7[%get3A_221] {strides = array<i32>} : memref<512xf32, #tpu.memory_space<vmem>>, vector<16xf32>,
    %get3A_223 = vector.shape_cast %get3A_222 : vector<16xf32> to vector<16xf32>
    %get3A_224 = arith.constant 144 : index
    %get3A_225 = tpu.vector_load %arg8[%get3A_224] {strides = array<i32>} : memref<512xf32, #tpu.memory_space<vmem>>, vector<16xf32>,
    %get3A_226 = vector.shape_cast %get3A_225 : vector<16xf32> to vector<16xf32>
    %eq3A_227 = arith.constant 2.000000e+00 : f32
    %eq3A_228 = vector.broadcast %eq3A_227 : f32 to vector<16xf32>
    %eq3A_229 = arith.cmpf oeq, %get3A_223, %eq3A_228 : vector<16xf32>
    %lt3A_230 = arith.constant 1.000000e-01 : f32
    %lt3A_231 = vector.broadcast %lt3A_230 : f32 to vector<16xf32>
    %lt3A_232 = arith.cmpf olt, %get3A_226, %lt3A_231 : vector<16xf32>
    %and3A_233 = arith.andi %eq3A_229, %lt3A_232 : vector<16xi1>
    %select_n3A_234 = arith.select %and3A_233, %get3A_59, %get3A_223 : vector<16xi1>, vector<16xf32>
    %swap3A_235 = arith.constant 144 : index
    %swap3A_236 = tpu.vector_load %arg9[%swap3A_235] {strides = array<i32>} : memref<512xf32, #tpu.memory_space<vmem>>, vector<16xf32>,
    %swap3A_237 = vector.shape_cast %swap3A_236 : vector<16xf32> to vector<16xf32>
    %swap3A_238 = vector.shape_cast %select_n3A_234 : vector<16xf32> to vector<16xf32>
    tpu.vector_store %arg9[%swap3A_235], %swap3A_238 {strides = array<i32>} : memref<512xf32, #tpu.memory_space<vmem>>, vector<16xf32>,
    %get3A_239 = arith.constant 160 : index
    %get3A_240 = tpu.vector_load %arg7[%get3A_239] {strides = array<i32>} : memref<512xf32, #tpu.memory_space<vmem>>, vector<16xf32>,
    %get3A_241 = vector.shape_cast %get3A_240 : vector<16xf32> to vector<16xf32>
    %get3A_242 = arith.constant 160 : index
    %get3A_243 = tpu.vector_load %arg8[%get3A_242] {strides = array<i32>} : memref<512xf32, #tpu.memory_space<vmem>>, vector<16xf32>,
    %get3A_244 = vector.shape_cast %get3A_243 : vector<16xf32> to vector<16xf32>
    %eq3A_245 = arith.constant 2.000000e+00 : f32
    %eq3A_246 = vector.broadcast %eq3A_245 : f32 to vector<16xf32>
    %eq3A_247 = arith.cmpf oeq, %get3A_241, %eq3A_246 : vector<16xf32>
    %lt3A_248 = arith.constant 1.000000e-01 : f32
    %lt3A_249 = vector.broadcast %lt3A_248 : f32 to vector<16xf32>
    %lt3A_250 = arith.cmpf olt, %get3A_244, %lt3A_249 : vector<16xf32>
    %and3A_251 = arith.andi %eq3A_247, %lt3A_250 : vector<16xi1>
    %select_n3A_252 = arith.select %and3A_251, %get3A_59, %get3A_241 : vector<16xi1>, vector<16xf32>
    %swap3A_253 = arith.constant 160 : index
    %swap3A_254 = tpu.vector_load %arg9[%swap3A_253] {strides = array<i32>} : memref<512xf32, #tpu.memory_space<vmem>>, vector<16xf32>,
    %swap3A_255 = vector.shape_cast %swap3A_254 : vector<16xf32> to vector<16xf32>
    %swap3A_256 = vector.shape_cast %select_n3A_252 : vector<16xf32> to vector<16xf32>
    tpu.vector_store %arg9[%swap3A_253], %swap3A_256 {strides = array<i32>} : memref<512xf32, #tpu.memory_space<vmem>>, vector<16xf32>,
    %get3A_257 = arith.constant 176 : index
    %get3A_258 = tpu.vector_load %arg7[%get3A_257] {strides = array<i32>} : memref<512xf32, #tpu.memory_space<vmem>>, vector<16xf32>,
    %get3A_259 = vector.shape_cast %get3A_258 : vector<16xf32> to vector<16xf32>
    %get3A_260 = arith.constant 176 : index
    %get3A_261 = tpu.vector_load %arg8[%get3A_260] {strides = array<i32>} : memref<512xf32, #tpu.memory_space<vmem>>, vector<16xf32>,
    %get3A_262 = vector.shape_cast %get3A_261 : vector<16xf32> to vector<16xf32>
    %eq3A_263 = arith.constant 2.000000e+00 : f32
    %eq3A_264 = vector.broadcast %eq3A_263 : f32 to vector<16xf32>
    %eq3A_265 = arith.cmpf oeq, %get3A_259, %eq3A_264 : vector<16xf32>
    %lt3A_266 = arith.constant 1.000000e-01 : f32
    %lt3A_267 = vector.broadcast %lt3A_266 : f32 to vector<16xf32>
    %lt3A_268 = arith.cmpf olt, %get3A_262, %lt3A_267 : vector<16xf32>
    %and3A_269 = arith.andi %eq3A_265, %lt3A_268 : vector<16xi1>
    %select_n3A_270 = arith.select %and3A_269, %get3A_59, %get3A_259 : vector<16xi1>, vector<16xf32>
    %swap3A_271 = arith.constant 176 : index
    %swap3A_272 = tpu.vector_load %arg9[%swap3A_271] {strides = array<i32>} : memref<512xf32, #tpu.memory_space<vmem>>, vector<16xf32>,
    %swap3A_273 = vector.shape_cast %swap3A_272 : vector<16xf32> to vector<16xf32>
    %swap3A_274 = vector.shape_cast %select_n3A_270 : vector<16xf32> to vector<16xf32>
    tpu.vector_store %arg9[%swap3A_271], %swap3A_274 {strides = array<i32>} : memref<512xf32, #tpu.memory_space<vmem>>, vector<16xf32>,
    %get3A_275 = arith.constant 192 : index
    %get3A_276 = tpu.vector_load %arg7[%get3A_275] {strides = array<i32>} : memref<512xf32, #tpu.memory_space<vmem>>, vector<16xf32>,
    %get3A_277 = vector.shape_cast %get3A_276 : vector<16xf32> to vector<16xf32>
    %get3A_278 = arith.constant 192 : index
    %get3A_279 = tpu.vector_load %arg8[%get3A_278] {strides = array<i32>} : memref<512xf32, #tpu.memory_space<vmem>>, vector<16xf32>,
    %get3A_280 = vector.shape_cast %get3A_279 : vector<16xf32> to vector<16xf32>
    %eq3A_281 = arith.constant 2.000000e+00 : f32
    %eq3A_282 = vector.broadcast %eq3A_281 : f32 to vector<16xf32>
    %eq3A_283 = arith.cmpf oeq, %get3A_277, %eq3A_282 : vector<16xf32>
    %lt3A_284 = arith.constant 1.000000e-01 : f32
    %lt3A_285 = vector.broadcast %lt3A_284 : f32 to vector<16xf32>
    %lt3A_286 = arith.cmpf olt, %get3A_280, %lt3A_285 : vector<16xf32>
    %and3A_287 = arith.andi %eq3A_283, %lt3A_286 : vector<16xi1>
    %select_n3A_288 = arith.select %and3A_287, %get3A_59, %get3A_277 : vector<16xi1>, vector<16xf32>
    %swap3A_289 = arith.constant 192 : index
    %swap3A_290 = tpu.vector_load %arg9[%swap3A_289] {strides = array<i32>} : memref<512xf32, #tpu.memory_space<vmem>>, vector<16xf32>,
    %swap3A_291 = vector.shape_cast %swap3A_290 : vector<16xf32> to vector<16xf32>
    %swap3A_292 = vector.shape_cast %select_n3A_288 : vector<16xf32> to vector<16xf32>
    tpu.vector_store %arg9[%swap3A_289], %swap3A_292 {strides = array<i32>} : memref<512xf32, #tpu.memory_space<vmem>>, vector<16xf32>,
    %get3A_293 = arith.constant 208 : index
    %get3A_294 = tpu.vector_load %arg7[%get3A_293] {strides = array<i32>} : memref<512xf32, #tpu.memory_space<vmem>>, vector<16xf32>,
    %get3A_295 = vector.shape_cast %get3A_294 : vector<16xf32> to vector<16xf32>
    %get3A_296 = arith.constant 208 : index
    %get3A_297 = tpu.vector_load %arg8[%get3A_296] {strides = array<i32>} : memref<512xf32, #tpu.memory_space<vmem>>, vector<16xf32>,
    %get3A_298 = vector.shape_cast %get3A_297 : vector<16xf32> to vector<16xf32>
    %eq3A_299 = arith.constant 2.000000e+00 : f32
    %eq3A_300 = vector.broadcast %eq3A_299 : f32 to vector<16xf32>
    %eq3A_301 = arith.cmpf oeq, %get3A_295, %eq3A_300 : vector<16xf32>
    %lt3A_302 = arith.constant 1.000000e-01 : f32
    %lt3A_303 = vector.broadcast %lt3A_302 : f32 to vector<16xf32>
    %lt3A_304 = arith.cmpf olt, %get3A_298, %lt3A_303 : vector<16xf32>
    %and3A_305 = arith.andi %eq3A_301, %lt3A_304 : vector<16xi1>
    %select_n3A_306 = arith.select %and3A_305, %get3A_59, %get3A_295 : vector<16xi1>, vector<16xf32>
    %swap3A_307 = arith.constant 208 : index
    %swap3A_308 = tpu.vector_load %arg9[%swap3A_307] {strides = array<i32>} : memref<512xf32, #tpu.memory_space<vmem>>, vector<16xf32>,
    %swap3A_309 = vector.shape_cast %swap3A_308 : vector<16xf32> to vector<16xf32>
    %swap3A_310 = vector.shape_cast %select_n3A_306 : vector<16xf32> to vector<16xf32>
    tpu.vector_store %arg9[%swap3A_307], %swap3A_310 {strides = array<i32>} : memref<512xf32, #tpu.memory_space<vmem>>, vector<16xf32>,
    %get3A_311 = arith.constant 224 : index
    %get3A_312 = tpu.vector_load %arg7[%get3A_311] {strides = array<i32>} : memref<512xf32, #tpu.memory_space<vmem>>, vector<16xf32>,
    %get3A_313 = vector.shape_cast %get3A_312 : vector<16xf32> to vector<16xf32>
    %get3A_314 = arith.constant 224 : index
    %get3A_315 = tpu.vector_load %arg8[%get3A_314] {strides = array<i32>} : memref<512xf32, #tpu.memory_space<vmem>>, vector<16xf32>,
    %get3A_316 = vector.shape_cast %get3A_315 : vector<16xf32> to vector<16xf32>
    %eq3A_317 = arith.constant 2.000000e+00 : f32
    %eq3A_318 = vector.broadcast %eq3A_317 : f32 to vector<16xf32>
    %eq3A_319 = arith.cmpf oeq, %get3A_313, %eq3A_318 : vector<16xf32>
    %lt3A_320 = arith.constant 1.000000e-01 : f32
    %lt3A_321 = vector.broadcast %lt3A_320 : f32 to vector<16xf32>
    %lt3A_322 = arith.cmpf olt, %get3A_316, %lt3A_321 : vector<16xf32>
    %and3A_323 = arith.andi %eq3A_319, %lt3A_322 : vector<16xi1>
    %select_n3A_324 = arith.select %and3A_323, %get3A_59, %get3A_313 : vector<16xi1>, vector<16xf32>
    %swap3A_325 = arith.constant 224 : index
    %swap3A_326 = tpu.vector_load %arg9[%swap3A_325] {strides = array<i32>} : memref<512xf32, #tpu.memory_space<vmem>>, vector<16xf32>,
    %swap3A_327 = vector.shape_cast %swap3A_326 : vector<16xf32> to vector<16xf32>
    %swap3A_328 = vector.shape_cast %select_n3A_324 : vector<16xf32> to vector<16xf32>
    tpu.vector_store %arg9[%swap3A_325], %swap3A_328 {strides = array<i32>} : memref<512xf32, #tpu.memory_space<vmem>>, vector<16xf32>,
    %get3A_329 = arith.constant 240 : index
    %get3A_330 = tpu.vector_load %arg7[%get3A_329] {strides = array<i32>} : memref<512xf32, #tpu.memory_space<vmem>>, vector<16xf32>,
    %get3A_331 = vector.shape_cast %get3A_330 : vector<16xf32> to vector<16xf32>
    %get3A_332 = arith.constant 240 : index
    %get3A_333 = tpu.vector_load %arg8[%get3A_332] {strides = array<i32>} : memref<512xf32, #tpu.memory_space<vmem>>, vector<16xf32>,
    %get3A_334 = vector.shape_cast %get3A_333 : vector<16xf32> to vector<16xf32>
    %eq3A_335 = arith.constant 2.000000e+00 : f32
    %eq3A_336 = vector.broadcast %eq3A_335 : f32 to vector<16xf32>
    %eq3A_337 = arith.cmpf oeq, %get3A_331, %eq3A_336 : vector<16xf32>
    %lt3A_338 = arith.constant 1.000000e-01 : f32
    %lt3A_339 = vector.broadcast %lt3A_338 : f32 to vector<16xf32>
    %lt3A_340 = arith.cmpf olt, %get3A_334, %lt3A_339 : vector<16xf32>
    %and3A_341 = arith.andi %eq3A_337, %lt3A_340 : vector<16xi1>
    %select_n3A_342 = arith.select %and3A_341, %get3A_59, %get3A_331 : vector<16xi1>, vector<16xf32>
    %swap3A_343 = arith.constant 240 : index
    %swap3A_344 = tpu.vector_load %arg9[%swap3A_343] {strides = array<i32>} : memref<512xf32, #tpu.memory_space<vmem>>, vector<16xf32>,
    %swap3A_345 = vector.shape_cast %swap3A_344 : vector<16xf32> to vector<16xf32>
    %swap3A_346 = vector.shape_cast %select_n3A_342 : vector<16xf32> to vector<16xf32>
    tpu.vector_store %arg9[%swap3A_343], %swap3A_346 {strides = array<i32>} : memref<512xf32, #tpu.memory_space<vmem>>, vector<16xf32>,
    %get3A_347 = arith.constant 256 : index
    %get3A_348 = tpu.vector_load %arg7[%get3A_347] {strides = array<i32>} : memref<512xf32, #tpu.memory_space<vmem>>, vector<16xf32>,
    %get3A_349 = vector.shape_cast %get3A_348 : vector<16xf32> to vector<16xf32>
    %get3A_350 = arith.constant 256 : index
    %get3A_351 = tpu.vector_load %arg8[%get3A_350] {strides = array<i32>} : memref<512xf32, #tpu.memory_space<vmem>>, vector<16xf32>,
    %get3A_352 = vector.shape_cast %get3A_351 : vector<16xf32> to vector<16xf32>
    %eq3A_353 = arith.constant 2.000000e+00 : f32
    %eq3A_354 = vector.broadcast %eq3A_353 : f32 to vector<16xf32>
    %eq3A_355 = arith.cmpf oeq, %get3A_349, %eq3A_354 : vector<16xf32>
    %lt3A_356 = arith.constant 1.000000e-01 : f32
    %lt3A_357 = vector.broadcast %lt3A_356 : f32 to vector<16xf32>
    %lt3A_358 = arith.cmpf olt, %get3A_352, %lt3A_357 : vector<16xf32>
    %and3A_359 = arith.andi %eq3A_355, %lt3A_358 : vector<16xi1>
    %select_n3A_360 = arith.select %and3A_359, %get3A_59, %get3A_349 : vector<16xi1>, vector<16xf32>
    %swap3A_361 = arith.constant 256 : index
    %swap3A_362 = tpu.vector_load %arg9[%swap3A_361] {strides = array<i32>} : memref<512xf32, #tpu.memory_space<vmem>>, vector<16xf32>,
    %swap3A_363 = vector.shape_cast %swap3A_362 : vector<16xf32> to vector<16xf32>
    %swap3A_364 = vector.shape_cast %select_n3A_360 : vector<16xf32> to vector<16xf32>
    tpu.vector_store %arg9[%swap3A_361], %swap3A_364 {strides = array<i32>} : memref<512xf32, #tpu.memory_space<vmem>>, vector<16xf32>,
    %get3A_365 = arith.constant 272 : index
    %get3A_366 = tpu.vector_load %arg7[%get3A_365] {strides = array<i32>} : memref<512xf32, #tpu.memory_space<vmem>>, vector<16xf32>,
    %get3A_367 = vector.shape_cast %get3A_366 : vector<16xf32> to vector<16xf32>
    %get3A_368 = arith.constant 272 : index
    %get3A_369 = tpu.vector_load %arg8[%get3A_368] {strides = array<i32>} : memref<512xf32, #tpu.memory_space<vmem>>, vector<16xf32>,
    %get3A_370 = vector.shape_cast %get3A_369 : vector<16xf32> to vector<16xf32>
    %eq3A_371 = arith.constant 2.000000e+00 : f32
    %eq3A_372 = vector.broadcast %eq3A_371 : f32 to vector<16xf32>
    %eq3A_373 = arith.cmpf oeq, %get3A_367, %eq3A_372 : vector<16xf32>
    %lt3A_374 = arith.constant 1.000000e-01 : f32
    %lt3A_375 = vector.broadcast %lt3A_374 : f32 to vector<16xf32>
    %lt3A_376 = arith.cmpf olt, %get3A_370, %lt3A_375 : vector<16xf32>
    %and3A_377 = arith.andi %eq3A_373, %lt3A_376 : vector<16xi1>
    %select_n3A_378 = arith.select %and3A_377, %get3A_59, %get3A_367 : vector<16xi1>, vector<16xf32>
    %swap3A_379 = arith.constant 272 : index
    %swap3A_380 = tpu.vector_load %arg9[%swap3A_379] {strides = array<i32>} : memref<512xf32, #tpu.memory_space<vmem>>, vector<16xf32>,
    %swap3A_381 = vector.shape_cast %swap3A_380 : vector<16xf32> to vector<16xf32>
    %swap3A_382 = vector.shape_cast %select_n3A_378 : vector<16xf32> to vector<16xf32>
    tpu.vector_store %arg9[%swap3A_379], %swap3A_382 {strides = array<i32>} : memref<512xf32, #tpu.memory_space<vmem>>, vector<16xf32>,
    %get3A_383 = arith.constant 288 : index
    %get3A_384 = tpu.vector_load %arg7[%get3A_383] {strides = array<i32>} : memref<512xf32, #tpu.memory_space<vmem>>, vector<16xf32>,
    %get3A_385 = vector.shape_cast %get3A_384 : vector<16xf32> to vector<16xf32>
    %get3A_386 = arith.constant 288 : index
    %get3A_387 = tpu.vector_load %arg8[%get3A_386] {strides = array<i32>} : memref<512xf32, #tpu.memory_space<vmem>>, vector<16xf32>,
    %get3A_388 = vector.shape_cast %get3A_387 : vector<16xf32> to vector<16xf32>
    %eq3A_389 = arith.constant 2.000000e+00 : f32
    %eq3A_390 = vector.broadcast %eq3A_389 : f32 to vector<16xf32>
    %eq3A_391 = arith.cmpf oeq, %get3A_385, %eq3A_390 : vector<16xf32>
    %lt3A_392 = arith.constant 1.000000e-01 : f32
    %lt3A_393 = vector.broadcast %lt3A_392 : f32 to vector<16xf32>
    %lt3A_394 = arith.cmpf olt, %get3A_388, %lt3A_393 : vector<16xf32>
    %and3A_395 = arith.andi %eq3A_391, %lt3A_394 : vector<16xi1>
    %select_n3A_396 = arith.select %and3A_395, %get3A_59, %get3A_385 : vector<16xi1>, vector<16xf32>
    %swap3A_397 = arith.constant 288 : index
    %swap3A_398 = tpu.vector_load %arg9[%swap3A_397] {strides = array<i32>} : memref<512xf32, #tpu.memory_space<vmem>>, vector<16xf32>,
    %swap3A_399 = vector.shape_cast %swap3A_398 : vector<16xf32> to vector<16xf32>
    %swap3A_400 = vector.shape_cast %select_n3A_396 : vector<16xf32> to vector<16xf32>
    tpu.vector_store %arg9[%swap3A_397], %swap3A_400 {strides = array<i32>} : memref<512xf32, #tpu.memory_space<vmem>>, vector<16xf32>,
    %get3A_401 = arith.constant 304 : index
    %get3A_402 = tpu.vector_load %arg7[%get3A_401] {strides = array<i32>} : memref<512xf32, #tpu.memory_space<vmem>>, vector<16xf32>,
    %get3A_403 = vector.shape_cast %get3A_402 : vector<16xf32> to vector<16xf32>
    %get3A_404 = arith.constant 304 : index
    %get3A_405 = tpu.vector_load %arg8[%get3A_404] {strides = array<i32>} : memref<512xf32, #tpu.memory_space<vmem>>, vector<16xf32>,
    %get3A_406 = vector.shape_cast %get3A_405 : vector<16xf32> to vector<16xf32>
    %eq3A_407 = arith.constant 2.000000e+00 : f32
    %eq3A_408 = vector.broadcast %eq3A_407 : f32 to vector<16xf32>
    %eq3A_409 = arith.cmpf oeq, %get3A_403, %eq3A_408 : vector<16xf32>
    %lt3A_410 = arith.constant 1.000000e-01 : f32
    %lt3A_411 = vector.broadcast %lt3A_410 : f32 to vector<16xf32>
    %lt3A_412 = arith.cmpf olt, %get3A_406, %lt3A_411 : vector<16xf32>
    %and3A_413 = arith.andi %eq3A_409, %lt3A_412 : vector<16xi1>
    %select_n3A_414 = arith.select %and3A_413, %get3A_59, %get3A_403 : vector<16xi1>, vector<16xf32>
    %swap3A_415 = arith.constant 304 : index
    %swap3A_416 = tpu.vector_load %arg9[%swap3A_415] {strides = array<i32>} : memref<512xf32, #tpu.memory_space<vmem>>, vector<16xf32>,
    %swap3A_417 = vector.shape_cast %swap3A_416 : vector<16xf32> to vector<16xf32>
    %swap3A_418 = vector.shape_cast %select_n3A_414 : vector<16xf32> to vector<16xf32>
    tpu.vector_store %arg9[%swap3A_415], %swap3A_418 {strides = array<i32>} : memref<512xf32, #tpu.memory_space<vmem>>, vector<16xf32>,
    %get3A_419 = arith.constant 320 : index
    %get3A_420 = tpu.vector_load %arg7[%get3A_419] {strides = array<i32>} : memref<512xf32, #tpu.memory_space<vmem>>, vector<16xf32>,
    %get3A_421 = vector.shape_cast %get3A_420 : vector<16xf32> to vector<16xf32>
    %get3A_422 = arith.constant 320 : index
    %get3A_423 = tpu.vector_load %arg8[%get3A_422] {strides = array<i32>} : memref<512xf32, #tpu.memory_space<vmem>>, vector<16xf32>,
    %get3A_424 = vector.shape_cast %get3A_423 : vector<16xf32> to vector<16xf32>
    %eq3A_425 = arith.constant 2.000000e+00 : f32
    %eq3A_426 = vector.broadcast %eq3A_425 : f32 to vector<16xf32>
    %eq3A_427 = arith.cmpf oeq, %get3A_421, %eq3A_426 : vector<16xf32>
    %lt3A_428 = arith.constant 1.000000e-01 : f32
    %lt3A_429 = vector.broadcast %lt3A_428 : f32 to vector<16xf32>
    %lt3A_430 = arith.cmpf olt, %get3A_424, %lt3A_429 : vector<16xf32>
    %and3A_431 = arith.andi %eq3A_427, %lt3A_430 : vector<16xi1>
    %select_n3A_432 = arith.select %and3A_431, %get3A_59, %get3A_421 : vector<16xi1>, vector<16xf32>
    %swap3A_433 = arith.constant 320 : index
    %swap3A_434 = tpu.vector_load %arg9[%swap3A_433] {strides = array<i32>} : memref<512xf32, #tpu.memory_space<vmem>>, vector<16xf32>,
    %swap3A_435 = vector.shape_cast %swap3A_434 : vector<16xf32> to vector<16xf32>
    %swap3A_436 = vector.shape_cast %select_n3A_432 : vector<16xf32> to vector<16xf32>
    tpu.vector_store %arg9[%swap3A_433], %swap3A_436 {strides = array<i32>} : memref<512xf32, #tpu.memory_space<vmem>>, vector<16xf32>,
    %get3A_437 = arith.constant 336 : index
    %get3A_438 = tpu.vector_load %arg7[%get3A_437] {strides = array<i32>} : memref<512xf32, #tpu.memory_space<vmem>>, vector<16xf32>,
    %get3A_439 = vector.shape_cast %get3A_438 : vector<16xf32> to vector<16xf32>
    %get3A_440 = arith.constant 336 : index
    %get3A_441 = tpu.vector_load %arg8[%get3A_440] {strides = array<i32>} : memref<512xf32, #tpu.memory_space<vmem>>, vector<16xf32>,
    %get3A_442 = vector.shape_cast %get3A_441 : vector<16xf32> to vector<16xf32>
    %eq3A_443 = arith.constant 2.000000e+00 : f32
    %eq3A_444 = vector.broadcast %eq3A_443 : f32 to vector<16xf32>
    %eq3A_445 = arith.cmpf oeq, %get3A_439, %eq3A_444 : vector<16xf32>
    %lt3A_446 = arith.constant 1.000000e-01 : f32
    %lt3A_447 = vector.broadcast %lt3A_446 : f32 to vector<16xf32>
    %lt3A_448 = arith.cmpf olt, %get3A_442, %lt3A_447 : vector<16xf32>
    %and3A_449 = arith.andi %eq3A_445, %lt3A_448 : vector<16xi1>
    %select_n3A_450 = arith.select %and3A_449, %get3A_59, %get3A_439 : vector<16xi1>, vector<16xf32>
    %swap3A_451 = arith.constant 336 : index
    %swap3A_452 = tpu.vector_load %arg9[%swap3A_451] {strides = array<i32>} : memref<512xf32, #tpu.memory_space<vmem>>, vector<16xf32>,
    %swap3A_453 = vector.shape_cast %swap3A_452 : vector<16xf32> to vector<16xf32>
    %swap3A_454 = vector.shape_cast %select_n3A_450 : vector<16xf32> to vector<16xf32>
    tpu.vector_store %arg9[%swap3A_451], %swap3A_454 {strides = array<i32>} : memref<512xf32, #tpu.memory_space<vmem>>, vector<16xf32>,
    %get3A_455 = arith.constant 352 : index
    %get3A_456 = tpu.vector_load %arg7[%get3A_455] {strides = array<i32>} : memref<512xf32, #tpu.memory_space<vmem>>, vector<16xf32>,
    %get3A_457 = vector.shape_cast %get3A_456 : vector<16xf32> to vector<16xf32>
    %get3A_458 = arith.constant 352 : index
    %get3A_459 = tpu.vector_load %arg8[%get3A_458] {strides = array<i32>} : memref<512xf32, #tpu.memory_space<vmem>>, vector<16xf32>,
    %get3A_460 = vector.shape_cast %get3A_459 : vector<16xf32> to vector<16xf32>
    %eq3A_461 = arith.constant 2.000000e+00 : f32
    %eq3A_462 = vector.broadcast %eq3A_461 : f32 to vector<16xf32>
    %eq3A_463 = arith.cmpf oeq, %get3A_457, %eq3A_462 : vector<16xf32>
    %lt3A_464 = arith.constant 1.000000e-01 : f32
    %lt3A_465 = vector.broadcast %lt3A_464 : f32 to vector<16xf32>
    %lt3A_466 = arith.cmpf olt, %get3A_460, %lt3A_465 : vector<16xf32>
    %and3A_467 = arith.andi %eq3A_463, %lt3A_466 : vector<16xi1>
    %select_n3A_468 = arith.select %and3A_467, %get3A_59, %get3A_457 : vector<16xi1>, vector<16xf32>
    %swap3A_469 = arith.constant 352 : index
    %swap3A_470 = tpu.vector_load %arg9[%swap3A_469] {strides = array<i32>} : memref<512xf32, #tpu.memory_space<vmem>>, vector<16xf32>,
    %swap3A_471 = vector.shape_cast %swap3A_470 : vector<16xf32> to vector<16xf32>
    %swap3A_472 = vector.shape_cast %select_n3A_468 : vector<16xf32> to vector<16xf32>
    tpu.vector_store %arg9[%swap3A_469], %swap3A_472 {strides = array<i32>} : memref<512xf32, #tpu.memory_space<vmem>>, vector<16xf32>,
    %get3A_473 = arith.constant 368 : index
    %get3A_474 = tpu.vector_load %arg7[%get3A_473] {strides = array<i32>} : memref<512xf32, #tpu.memory_space<vmem>>, vector<16xf32>,
    %get3A_475 = vector.shape_cast %get3A_474 : vector<16xf32> to vector<16xf32>
    %get3A_476 = arith.constant 368 : index
    %get3A_477 = tpu.vector_load %arg8[%get3A_476] {strides = array<i32>} : memref<512xf32, #tpu.memory_space<vmem>>, vector<16xf32>,
    %get3A_478 = vector.shape_cast %get3A_477 : vector<16xf32> to vector<16xf32>
    %eq3A_479 = arith.constant 2.000000e+00 : f32
    %eq3A_480 = vector.broadcast %eq3A_479 : f32 to vector<16xf32>
    %eq3A_481 = arith.cmpf oeq, %get3A_475, %eq3A_480 : vector<16xf32>
    %lt3A_482 = arith.constant 1.000000e-01 : f32
    %lt3A_483 = vector.broadcast %lt3A_482 : f32 to vector<16xf32>
    %lt3A_484 = arith.cmpf olt, %get3A_478, %lt3A_483 : vector<16xf32>
    %and3A_485 = arith.andi %eq3A_481, %lt3A_484 : vector<16xi1>
    %select_n3A_486 = arith.select %and3A_485, %get3A_59, %get3A_475 : vector<16xi1>, vector<16xf32>
    %swap3A_487 = arith.constant 368 : index
    %swap3A_488 = tpu.vector_load %arg9[%swap3A_487] {strides = array<i32>} : memref<512xf32, #tpu.memory_space<vmem>>, vector<16xf32>,
    %swap3A_489 = vector.shape_cast %swap3A_488 : vector<16xf32> to vector<16xf32>
    %swap3A_490 = vector.shape_cast %select_n3A_486 : vector<16xf32> to vector<16xf32>
    tpu.vector_store %arg9[%swap3A_487], %swap3A_490 {strides = array<i32>} : memref<512xf32, #tpu.memory_space<vmem>>, vector<16xf32>,
    %get3A_491 = arith.constant 384 : index
    %get3A_492 = tpu.vector_load %arg7[%get3A_491] {strides = array<i32>} : memref<512xf32, #tpu.memory_space<vmem>>, vector<16xf32>,
    %get3A_493 = vector.shape_cast %get3A_492 : vector<16xf32> to vector<16xf32>
    %get3A_494 = arith.constant 384 : index
    %get3A_495 = tpu.vector_load %arg8[%get3A_494] {strides = array<i32>} : memref<512xf32, #tpu.memory_space<vmem>>, vector<16xf32>,
    %get3A_496 = vector.shape_cast %get3A_495 : vector<16xf32> to vector<16xf32>
    %eq3A_497 = arith.constant 2.000000e+00 : f32
    %eq3A_498 = vector.broadcast %eq3A_497 : f32 to vector<16xf32>
    %eq3A_499 = arith.cmpf oeq, %get3A_493, %eq3A_498 : vector<16xf32>
    %lt3A_500 = arith.constant 1.000000e-01 : f32
    %lt3A_501 = vector.broadcast %lt3A_500 : f32 to vector<16xf32>
    %lt3A_502 = arith.cmpf olt, %get3A_496, %lt3A_501 : vector<16xf32>
    %and3A_503 = arith.andi %eq3A_499, %lt3A_502 : vector<16xi1>
    %select_n3A_504 = arith.select %and3A_503, %get3A_59, %get3A_493 : vector<16xi1>, vector<16xf32>
    %swap3A_505 = arith.constant 384 : index
    %swap3A_506 = tpu.vector_load %arg9[%swap3A_505] {strides = array<i32>} : memref<512xf32, #tpu.memory_space<vmem>>, vector<16xf32>,
    %swap3A_507 = vector.shape_cast %swap3A_506 : vector<16xf32> to vector<16xf32>
    %swap3A_508 = vector.shape_cast %select_n3A_504 : vector<16xf32> to vector<16xf32>
    tpu.vector_store %arg9[%swap3A_505], %swap3A_508 {strides = array<i32>} : memref<512xf32, #tpu.memory_space<vmem>>, vector<16xf32>,
    %get3A_509 = arith.constant 400 : index
    %get3A_510 = tpu.vector_load %arg7[%get3A_509] {strides = array<i32>} : memref<512xf32, #tpu.memory_space<vmem>>, vector<16xf32>,
    %get3A_511 = vector.shape_cast %get3A_510 : vector<16xf32> to vector<16xf32>
    %get3A_512 = arith.constant 400 : index
    %get3A_513 = tpu.vector_load %arg8[%get3A_512] {strides = array<i32>} : memref<512xf32, #tpu.memory_space<vmem>>, vector<16xf32>,
    %get3A_514 = vector.shape_cast %get3A_513 : vector<16xf32> to vector<16xf32>
    %eq3A_515 = arith.constant 2.000000e+00 : f32
    %eq3A_516 = vector.broadcast %eq3A_515 : f32 to vector<16xf32>
    %eq3A_517 = arith.cmpf oeq, %get3A_511, %eq3A_516 : vector<16xf32>
    %lt3A_518 = arith.constant 1.000000e-01 : f32
    %lt3A_519 = vector.broadcast %lt3A_518 : f32 to vector<16xf32>
    %lt3A_520 = arith.cmpf olt, %get3A_514, %lt3A_519 : vector<16xf32>
    %and3A_521 = arith.andi %eq3A_517, %lt3A_520 : vector<16xi1>
    %select_n3A_522 = arith.select %and3A_521, %get3A_59, %get3A_511 : vector<16xi1>, vector<16xf32>
    %swap3A_523 = arith.constant 400 : index
    %swap3A_524 = tpu.vector_load %arg9[%swap3A_523] {strides = array<i32>} : memref<512xf32, #tpu.memory_space<vmem>>, vector<16xf32>,
    %swap3A_525 = vector.shape_cast %swap3A_524 : vector<16xf32> to vector<16xf32>
    %swap3A_526 = vector.shape_cast %select_n3A_522 : vector<16xf32> to vector<16xf32>
    tpu.vector_store %arg9[%swap3A_523], %swap3A_526 {strides = array<i32>} : memref<512xf32, #tpu.memory_space<vmem>>, vector<16xf32>,
    %get3A_527 = arith.constant 416 : index
    %get3A_528 = tpu.vector_load %arg7[%get3A_527] {strides = array<i32>} : memref<512xf32, #tpu.memory_space<vmem>>, vector<16xf32>,
    %get3A_529 = vector.shape_cast %get3A_528 : vector<16xf32> to vector<16xf32>
    %get3A_530 = arith.constant 416 : index
    %get3A_531 = tpu.vector_load %arg8[%get3A_530] {strides = array<i32>} : memref<512xf32, #tpu.memory_space<vmem>>, vector<16xf32>,
    %get3A_532 = vector.shape_cast %get3A_531 : vector<16xf32> to vector<16xf32>
    %eq3A_533 = arith.constant 2.000000e+00 : f32
    %eq3A_534 = vector.broadcast %eq3A_533 : f32 to vector<16xf32>
    %eq3A_535 = arith.cmpf oeq, %get3A_529, %eq3A_534 : vector<16xf32>
    %lt3A_536 = arith.constant 1.000000e-01 : f32
    %lt3A_537 = vector.broadcast %lt3A_536 : f32 to vector<16xf32>
    %lt3A_538 = arith.cmpf olt, %get3A_532, %lt3A_537 : vector<16xf32>
    %and3A_539 = arith.andi %eq3A_535, %lt3A_538 : vector<16xi1>
    %select_n3A_540 = arith.select %and3A_539, %get3A_59, %get3A_529 : vector<16xi1>, vector<16xf32>
    %swap3A_541 = arith.constant 416 : index
    %swap3A_542 = tpu.vector_load %arg9[%swap3A_541] {strides = array<i32>} : memref<512xf32, #tpu.memory_space<vmem>>, vector<16xf32>,
    %swap3A_543 = vector.shape_cast %swap3A_542 : vector<16xf32> to vector<16xf32>
    %swap3A_544 = vector.shape_cast %select_n3A_540 : vector<16xf32> to vector<16xf32>
    tpu.vector_store %arg9[%swap3A_541], %swap3A_544 {strides = array<i32>} : memref<512xf32, #tpu.memory_space<vmem>>, vector<16xf32>,
    %get3A_545 = arith.constant 432 : index
    %get3A_546 = tpu.vector_load %arg7[%get3A_545] {strides = array<i32>} : memref<512xf32, #tpu.memory_space<vmem>>, vector<16xf32>,
    %get3A_547 = vector.shape_cast %get3A_546 : vector<16xf32> to vector<16xf32>
    %get3A_548 = arith.constant 432 : index
    %get3A_549 = tpu.vector_load %arg8[%get3A_548] {strides = array<i32>} : memref<512xf32, #tpu.memory_space<vmem>>, vector<16xf32>,
    %get3A_550 = vector.shape_cast %get3A_549 : vector<16xf32> to vector<16xf32>
    %eq3A_551 = arith.constant 2.000000e+00 : f32
    %eq3A_552 = vector.broadcast %eq3A_551 : f32 to vector<16xf32>
    %eq3A_553 = arith.cmpf oeq, %get3A_547, %eq3A_552 : vector<16xf32>
    %lt3A_554 = arith.constant 1.000000e-01 : f32
    %lt3A_555 = vector.broadcast %lt3A_554 : f32 to vector<16xf32>
    %lt3A_556 = arith.cmpf olt, %get3A_550, %lt3A_555 : vector<16xf32>
    %and3A_557 = arith.andi %eq3A_553, %lt3A_556 : vector<16xi1>
    %select_n3A_558 = arith.select %and3A_557, %get3A_59, %get3A_547 : vector<16xi1>, vector<16xf32>
    %swap3A_559 = arith.constant 432 : index
    %swap3A_560 = tpu.vector_load %arg9[%swap3A_559] {strides = array<i32>} : memref<512xf32, #tpu.memory_space<vmem>>, vector<16xf32>,
    %swap3A_561 = vector.shape_cast %swap3A_560 : vector<16xf32> to vector<16xf32>
    %swap3A_562 = vector.shape_cast %select_n3A_558 : vector<16xf32> to vector<16xf32>
    tpu.vector_store %arg9[%swap3A_559], %swap3A_562 {strides = array<i32>} : memref<512xf32, #tpu.memory_space<vmem>>, vector<16xf32>,
    %get3A_563 = arith.constant 448 : index
    %get3A_564 = tpu.vector_load %arg7[%get3A_563] {strides = array<i32>} : memref<512xf32, #tpu.memory_space<vmem>>, vector<16xf32>,
    %get3A_565 = vector.shape_cast %get3A_564 : vector<16xf32> to vector<16xf32>
    %get3A_566 = arith.constant 448 : index
    %get3A_567 = tpu.vector_load %arg8[%get3A_566] {strides = array<i32>} : memref<512xf32, #tpu.memory_space<vmem>>, vector<16xf32>,
    %get3A_568 = vector.shape_cast %get3A_567 : vector<16xf32> to vector<16xf32>
    %eq3A_569 = arith.constant 2.000000e+00 : f32
    %eq3A_570 = vector.broadcast %eq3A_569 : f32 to vector<16xf32>
    %eq3A_571 = arith.cmpf oeq, %get3A_565, %eq3A_570 : vector<16xf32>
    %lt3A_572 = arith.constant 1.000000e-01 : f32
    %lt3A_573 = vector.broadcast %lt3A_572 : f32 to vector<16xf32>
    %lt3A_574 = arith.cmpf olt, %get3A_568, %lt3A_573 : vector<16xf32>
    %and3A_575 = arith.andi %eq3A_571, %lt3A_574 : vector<16xi1>
    %select_n3A_576 = arith.select %and3A_575, %get3A_59, %get3A_565 : vector<16xi1>, vector<16xf32>
    %swap3A_577 = arith.constant 448 : index
    %swap3A_578 = tpu.vector_load %arg9[%swap3A_577] {strides = array<i32>} : memref<512xf32, #tpu.memory_space<vmem>>, vector<16xf32>,
    %swap3A_579 = vector.shape_cast %swap3A_578 : vector<16xf32> to vector<16xf32>
    %swap3A_580 = vector.shape_cast %select_n3A_576 : vector<16xf32> to vector<16xf32>
    tpu.vector_store %arg9[%swap3A_577], %swap3A_580 {strides = array<i32>} : memref<512xf32, #tpu.memory_space<vmem>>, vector<16xf32>,
    %get3A_581 = arith.constant 464 : index
    %get3A_582 = tpu.vector_load %arg7[%get3A_581] {strides = array<i32>} : memref<512xf32, #tpu.memory_space<vmem>>, vector<16xf32>,
    %get3A_583 = vector.shape_cast %get3A_582 : vector<16xf32> to vector<16xf32>
    %get3A_584 = arith.constant 464 : index
    %get3A_585 = tpu.vector_load %arg8[%get3A_584] {strides = array<i32>} : memref<512xf32, #tpu.memory_space<vmem>>, vector<16xf32>,
    %get3A_586 = vector.shape_cast %get3A_585 : vector<16xf32> to vector<16xf32>
    %eq3A_587 = arith.constant 2.000000e+00 : f32
    %eq3A_588 = vector.broadcast %eq3A_587 : f32 to vector<16xf32>
    %eq3A_589 = arith.cmpf oeq, %get3A_583, %eq3A_588 : vector<16xf32>
    %lt3A_590 = arith.constant 1.000000e-01 : f32
    %lt3A_591 = vector.broadcast %lt3A_590 : f32 to vector<16xf32>
    %lt3A_592 = arith.cmpf olt, %get3A_586, %lt3A_591 : vector<16xf32>
    %and3A_593 = arith.andi %eq3A_589, %lt3A_592 : vector<16xi1>
    %select_n3A_594 = arith.select %and3A_593, %get3A_59, %get3A_583 : vector<16xi1>, vector<16xf32>
    %swap3A_595 = arith.constant 464 : index
    %swap3A_596 = tpu.vector_load %arg9[%swap3A_595] {strides = array<i32>} : memref<512xf32, #tpu.memory_space<vmem>>, vector<16xf32>,
    %swap3A_597 = vector.shape_cast %swap3A_596 : vector<16xf32> to vector<16xf32>
    %swap3A_598 = vector.shape_cast %select_n3A_594 : vector<16xf32> to vector<16xf32>
    tpu.vector_store %arg9[%swap3A_595], %swap3A_598 {strides = array<i32>} : memref<512xf32, #tpu.memory_space<vmem>>, vector<16xf32>,
    %get3A_599 = arith.constant 480 : index
    %get3A_600 = tpu.vector_load %arg7[%get3A_599] {strides = array<i32>} : memref<512xf32, #tpu.memory_space<vmem>>, vector<16xf32>,
    %get3A_601 = vector.shape_cast %get3A_600 : vector<16xf32> to vector<16xf32>
    %get3A_602 = arith.constant 480 : index
    %get3A_603 = tpu.vector_load %arg8[%get3A_602] {strides = array<i32>} : memref<512xf32, #tpu.memory_space<vmem>>, vector<16xf32>,
    %get3A_604 = vector.shape_cast %get3A_603 : vector<16xf32> to vector<16xf32>
    %eq3A_605 = arith.constant 2.000000e+00 : f32
    %eq3A_606 = vector.broadcast %eq3A_605 : f32 to vector<16xf32>
    %eq3A_607 = arith.cmpf oeq, %get3A_601, %eq3A_606 : vector<16xf32>
    %lt3A_608 = arith.constant 1.000000e-01 : f32
    %lt3A_609 = vector.broadcast %lt3A_608 : f32 to vector<16xf32>
    %lt3A_610 = arith.cmpf olt, %get3A_604, %lt3A_609 : vector<16xf32>
    %and3A_611 = arith.andi %eq3A_607, %lt3A_610 : vector<16xi1>
    %select_n3A_612 = arith.select %and3A_611, %get3A_59, %get3A_601 : vector<16xi1>, vector<16xf32>
    %swap3A_613 = arith.constant 480 : index
    %swap3A_614 = tpu.vector_load %arg9[%swap3A_613] {strides = array<i32>} : memref<512xf32, #tpu.memory_space<vmem>>, vector<16xf32>,
    %swap3A_615 = vector.shape_cast %swap3A_614 : vector<16xf32> to vector<16xf32>
    %swap3A_616 = vector.shape_cast %select_n3A_612 : vector<16xf32> to vector<16xf32>
    tpu.vector_store %arg9[%swap3A_613], %swap3A_616 {strides = array<i32>} : memref<512xf32, #tpu.memory_space<vmem>>, vector<16xf32>,
    %get3A_617 = arith.constant 496 : index
    %get3A_618 = tpu.vector_load %arg7[%get3A_617] {strides = array<i32>} : memref<512xf32, #tpu.memory_space<vmem>>, vector<16xf32>,
    %get3A_619 = vector.shape_cast %get3A_618 : vector<16xf32> to vector<16xf32>
    %get3A_620 = arith.constant 496 : index
    %get3A_621 = tpu.vector_load %arg8[%get3A_620] {strides = array<i32>} : memref<512xf32, #tpu.memory_space<vmem>>, vector<16xf32>,
    %get3A_622 = vector.shape_cast %get3A_621 : vector<16xf32> to vector<16xf32>
    %eq3A_623 = arith.constant 2.000000e+00 : f32
    %eq3A_624 = vector.broadcast %eq3A_623 : f32 to vector<16xf32>
    %eq3A_625 = arith.cmpf oeq, %get3A_619, %eq3A_624 : vector<16xf32>
    %lt3A_626 = arith.constant 1.000000e-01 : f32
    %lt3A_627 = vector.broadcast %lt3A_626 : f32 to vector<16xf32>
    %lt3A_628 = arith.cmpf olt, %get3A_622, %lt3A_627 : vector<16xf32>
    %and3A_629 = arith.andi %eq3A_625, %lt3A_628 : vector<16xi1>
    %select_n3A_630 = arith.select %and3A_629, %get3A_59, %get3A_619 : vector<16xi1>, vector<16xf32>
    %swap3A_631 = arith.constant 496 : index
    %swap3A_632 = tpu.vector_load %arg9[%swap3A_631] {strides = array<i32>} : memref<512xf32, #tpu.memory_space<vmem>>, vector<16xf32>,
    %swap3A_633 = vector.shape_cast %swap3A_632 : vector<16xf32> to vector<16xf32>
    %swap3A_634 = vector.shape_cast %select_n3A_630 : vector<16xf32> to vector<16xf32>
    tpu.vector_store %arg9[%swap3A_631], %swap3A_634 {strides = array<i32>} : memref<512xf32, #tpu.memory_space<vmem>>, vector<16xf32>,
    "tpu.region"() ({
      %run_scoped3A = tpu.sem_alloc : memref<!tpu.dma_semaphore, #tpu.memory_space<semaphore_mem>>
      %dma_start3A_635 = tpu.memref_slice %arg5[%select_n3A, %mul3A_29] : memref<2x2048xf32, #tpu.memory_space<hbm>> -> memref<1x512xf32, #tpu.memory_space<hbm>>
      %dma_start3A_636 = tpu.memref_squeeze %dma_start3A_635 : memref<1x512xf32, #tpu.memory_space<hbm>> -> memref<512xf32, #tpu.memory_space<hbm>>
      %dma_start3A_637 = tpu.memref_slice %arg5[%select_n3A, %mul3A_29] : memref<2x2048xf32, #tpu.memory_space<hbm>> -> memref<1x512xf32, #tpu.memory_space<hbm>>
      %dma_start3A_638 = tpu.memref_squeeze %dma_start3A_637 : memref<1x512xf32, #tpu.memory_space<hbm>> -> memref<512xf32, #tpu.memory_space<hbm>>
      tpu.enqueue_dma source(%arg9 : memref<512xf32, #tpu.memory_space<vmem>>) target(%dma_start3A_638 : memref<512xf32, #tpu.memory_space<hbm>>) target_semaphore(%run_scoped3A : memref<!tpu.dma_semaphore, #tpu.memory_space<semaphore_mem>>)
      %dma_wait3A_639 = tpu.memref_slice %arg5[%select_n3A, %mul3A_29] : memref<2x2048xf32, #tpu.memory_space<hbm>> -> memref<1x512xf32, #tpu.memory_space<hbm>>
      %dma_wait3A_640 = tpu.memref_squeeze %dma_wait3A_639 : memref<1x512xf32, #tpu.memory_space<hbm>> -> memref<512xf32, #tpu.memory_space<hbm>>
      %dma_wait3A_641 = tpu.memref_slice %arg5[%select_n3A, %mul3A_29] : memref<2x2048xf32, #tpu.memory_space<hbm>> -> memref<1x512xf32, #tpu.memory_space<hbm>>
      %dma_wait3A_642 = tpu.memref_squeeze %dma_wait3A_641 : memref<1x512xf32, #tpu.memory_space<hbm>> -> memref<512xf32, #tpu.memory_space<hbm>>
      tpu.wait_dma2 semaphore(%run_scoped3A : memref<!tpu.dma_semaphore, #tpu.memory_space<semaphore_mem>>) src(%arg9 : memref<512xf32, #tpu.memory_space<vmem>>) dst(%dma_wait3A_642 : memref<512xf32, #tpu.memory_space<hbm>>)
      tpu.yield
    }) : () -> ()
    return
  }
}

module attributes {stable_mosaic.version = 14 : i64} {
  func.func @_matvec_body(%arg0: i32, %arg1: memref<8x768xf32, #tpu.memory_space<vmem>>, %arg2: memref<768x2048xf32, #tpu.memory_space<vmem>>, %arg3: memref<1x2048xf32, #tpu.memory_space<vmem>>, %arg4: memref<1x128xf32, #tpu.memory_space<vmem>>, %arg5: memref<1xf32, #tpu.memory_space<smem>>, %arg6: memref<1xi32, #tpu.memory_space<smem>>) attributes {dimension_semantics = [#tpu.dimension_semantics<arbitrary>], iteration_bounds = array<i64: 4>, scalar_prefetch = 0 : i64, scratch_operands = 2 : i64, tpu.core_type = #tpu.core_type<tc>, window_params = [{transform_indices = @transform_0, window_bounds = array<i64: 8, 768>}, {transform_indices = @transform_1, window_bounds = array<i64: 768, 2048>}, {transform_indices = @transform_2, window_bounds = array<i64: 1, 2048>}, {pipeline_mode = #tpu.pipeline_mode<synchronous>, transform_indices = @transform_3, window_bounds = array<i64: 1, 128>}]} {
    %get3A = arith.constant 2 : index
    %get3A_0 = arith.constant 0 : index
    %get3A_1 = vector.load %arg1[%get3A, %get3A_0] : memref<8x768xf32, #tpu.memory_space<vmem>>, vector<1x768xf32>
    %get3A_2 = arith.constant 0 : index
    %get3A_3 = arith.constant 0 : index
    %get3A_4 = vector.load %arg2[%get3A_2, %get3A_3] : memref<768x2048xf32, #tpu.memory_space<vmem>>, vector<768x2048xf32>
    %dot_general3A = arith.constant dense<0.000000e+00> : vector<1x2048xf32>
    %dot_general3A_5 = tpu.matmul %get3A_1, %get3A_4, %dot_general3A {dimension_numbers = #tpu.dot_dimension_numbers<[1], [0], [0], [1], [0, 0, 1, 1], [], []>, transpose_lhs_hint = false} : vector<1x768xf32>, vector<768x2048xf32>, vector<1x2048xf32> -> vector<1x2048xf32>
    %get3A_6 = arith.constant 0 : index
    %get3A_7 = arith.constant 0 : index
    %get3A_8 = vector.load %arg3[%get3A_6, %get3A_7] : memref<1x2048xf32, #tpu.memory_space<vmem>>, vector<1x2048xf32>
    %add3A = arith.addf %dot_general3A_5, %get3A_8 : vector<1x2048xf32>
    %reduce_max3A = vector.shape_cast %add3A : vector<1x2048xf32> to vector<1x1x2048xf32>
    %reduce_max3A_9 = arith.constant dense<0xFF800000> : vector<1xf32>
    %reduce_max3A_10 = vector.multi_reduction <maximumf>, %reduce_max3A, %reduce_max3A_9 [1, 2] : vector<1x1x2048xf32> to vector<1xf32>
    %reduce_max3A_11 = vector.shape_cast %reduce_max3A_10 : vector<1xf32> to vector<1x1x1xf32>
    %reduce_max3A_12 = vector.extract %reduce_max3A_11[0, 0, 0] : f32 from vector<1x1x1xf32>
    %iota3A = tpu.iota {dimensions = array<i32: 1>} : vector<1x2048xi32>
    %eq3A = vector.broadcast %reduce_max3A_12 : f32 to vector<1x2048xf32>
    %eq3A_13 = arith.cmpf oeq, %add3A, %eq3A : vector<1x2048xf32>
    %jit3A = arith.constant 2048 : i32
    %broadcast_in_dim3A = vector.broadcast %jit3A : i32 to vector<1x2048xi32>
    %select_n3A = arith.select %eq3A_13, %iota3A, %broadcast_in_dim3A : vector<1x2048xi1>, vector<1x2048xi32>
    %reduce_min3A = vector.shape_cast %select_n3A : vector<1x2048xi32> to vector<1x1x2048xi32>
    %reduce_min3A_14 = arith.constant dense<2147483647> : vector<1xi32>
    %reduce_min3A_15 = vector.multi_reduction <minsi>, %reduce_min3A, %reduce_min3A_14 [1, 2] : vector<1x1x2048xi32> to vector<1xi32>
    %reduce_min3A_16 = vector.shape_cast %reduce_min3A_15 : vector<1xi32> to vector<1x1x1xi32>
    %reduce_min3A_17 = vector.extract %reduce_min3A_16[0, 0, 0] : i32 from vector<1x1x1xi32>
    %eq3A_18 = arith.constant 0 : i32
    %eq3A_19 = arith.cmpi eq, %arg0, %eq3A_18 : i32
    %convert_element_type3A = arith.extui %eq3A_19 : i1 to i32
    %cond3A = arith.constant 0 : i32
    %cond3A_20 = arith.cmpi ne, %convert_element_type3A, %cond3A : i32
    scf.if %cond3A_20 {
      %swap3A = arith.constant 0 : index
      %swap3A_33 = memref.load %arg5[%swap3A] : memref<1xf32, #tpu.memory_space<smem>>
      memref.store %reduce_max3A_12, %arg5[%swap3A] : memref<1xf32, #tpu.memory_space<smem>>
      %swap3A_34 = arith.constant 0 : index
      %swap3A_35 = memref.load %arg6[%swap3A_34] : memref<1xi32, #tpu.memory_space<smem>>
      memref.store %reduce_min3A_17, %arg6[%swap3A_34] : memref<1xi32, #tpu.memory_space<smem>>
    } else {
    }
    %gt3A = arith.constant 0 : i32
    %gt3A_21 = arith.cmpi sgt, %arg0, %gt3A : i32
    %get3A_22 = arith.constant 0 : index
    %get3A_23 = memref.load %arg5[%get3A_22] : memref<1xf32, #tpu.memory_space<smem>>
    %gt3A_24 = arith.cmpf ogt, %reduce_max3A_12, %get3A_23 : f32
    %and3A = arith.andi %gt3A_21, %gt3A_24 : i1
    %convert_element_type3A_25 = arith.extui %and3A : i1 to i32
    %cond3A_26 = arith.constant 0 : i32
    %cond3A_27 = arith.cmpi ne, %convert_element_type3A_25, %cond3A_26 : i32
    scf.if %cond3A_27 {
      %swap3A = arith.constant 0 : index
      %swap3A_33 = memref.load %arg5[%swap3A] : memref<1xf32, #tpu.memory_space<smem>>
      memref.store %reduce_max3A_12, %arg5[%swap3A] : memref<1xf32, #tpu.memory_space<smem>>
      %mul3A = arith.constant 2048 : i32
      %mul3A_34 = arith.muli %arg0, %mul3A : i32
      %add3A_35 = arith.addi %mul3A_34, %reduce_min3A_17 : i32
      %swap3A_36 = arith.constant 0 : index
      %swap3A_37 = memref.load %arg6[%swap3A_36] : memref<1xi32, #tpu.memory_space<smem>>
      memref.store %add3A_35, %arg6[%swap3A_36] : memref<1xi32, #tpu.memory_space<smem>>
    } else {
    }
    %eq3A_28 = arith.constant 3 : i32
    %eq3A_29 = arith.cmpi eq, %arg0, %eq3A_28 : i32
    %convert_element_type3A_30 = arith.extui %eq3A_29 : i1 to i32
    %cond3A_31 = arith.constant 0 : i32
    %cond3A_32 = arith.cmpi ne, %convert_element_type3A_30, %cond3A_31 : i32
    scf.if %cond3A_32 {
      %get3A_33 = arith.constant 0 : index
      %get3A_34 = memref.load %arg6[%get3A_33] : memref<1xi32, #tpu.memory_space<smem>>
      %convert_element_type3A_35 = arith.sitofp %get3A_34 : i32 to f32
      %broadcast_in_dim3A_36 = vector.broadcast %convert_element_type3A_35 : f32 to vector<1x128xf32>
      %swap3A = arith.constant 0 : index
      %swap3A_37 = arith.constant 0 : index
      %swap3A_38 = vector.load %arg4[%swap3A, %swap3A_37] : memref<1x128xf32, #tpu.memory_space<vmem>>, vector<1x128xf32>
      tpu.vector_store %arg4[%swap3A, %swap3A_37], %broadcast_in_dim3A_36 {strides = array<i32>} : memref<1x128xf32, #tpu.memory_space<vmem>>, vector<1x128xf32>,
    } else {
    }
    return
  }
  func.func @transform_0(%arg0: i32) -> (i32, i32) {
    %c0_i32 = arith.constant 0 : i32
    %c0_i32_0 = arith.constant 0 : i32
    %c0_i32_1 = arith.constant 0 : i32
    return %c0_i32, %c0_i32_0 : i32, i32
  }
  func.func @transform_1(%arg0: i32) -> (i32, i32) {
    %c0_i32 = arith.constant 0 : i32
    %c0_i32_0 = arith.constant 0 : i32
    return %c0_i32, %arg0 : i32, i32
  }
  func.func @transform_2(%arg0: i32) -> (i32, i32) {
    %c0_i32 = arith.constant 0 : i32
    %c0_i32_0 = arith.constant 0 : i32
    return %c0_i32, %arg0 : i32, i32
  }
  func.func @transform_3(%arg0: i32) -> (i32, i32) {
    %c0_i32 = arith.constant 0 : i32
    %c0_i32_0 = arith.constant 0 : i32
    %c0_i32_1 = arith.constant 0 : i32
    return %c0_i32, %c0_i32_0 : i32, i32
  }
}

</mosaic_0001>

<sc_bundles>
// kernel: kernel.4.cloned.1.call-start
scs
__scs_entry_jumppad:
0x0: {  	(pc) =	sbr.rel $0x88, $3  }
0x1: {  	(tag) =	ssettag $0x0;
	lr =	simm.s32 $0x1  }
0x2: {  	[smem:$0x3F9C] =	sst lr;
	_ =	strace $0xD0000000  }
0x3: {  	_ = 	snop  }
0x4: {  	_ = 	snop  }
0x5: {  	_ = 	snop  }
0x6: {  	_ = 	snop  }
0x7: {  	_ = 	snop  }
__scs_overlays_trampoline_lowered:
0x8: {  	[smem:$0x3FAB] =	sst s0  }
0x9: {  	[smem:$0x3FAC] =	sst s1  }
0xa: {  	[smem:$0x3FAD] =	sst s2  }
0xb: {  	[smem:$0x3FAE] =	sst s3  }
0xc: {  	[smem:$0x3FAF] =	sst s4  }
0xd: {  	[smem:$0x3FB0] =	sst s5  }
0xe: {  	[smem:$0x3FB1] =	sst s6  }
0xf: {  	[smem:$0x3FB2] =	sst s7  }
0x10: {  	[smem:$0x3FB3] =	sst s8  }
0x11: {  	[smem:$0x3FB4] =	sst s9;
	s0 =	simm.s32 @!p0 $0x0  }
0x12: {  	s1 =	sld [smem:$0x3F9A];
	s0 =	simm.s32 @p0 $0x1  }
0x13: {  	[smem:$0x3FB5] =	sst s0;
	s0 =	simm.s32 @!p1 $0x0  }
0x14: {  	s2 =	sld [smem:$0x3F99];
	s0 =	simm.s32 @p1 $0x1  }
0x15: {  	[smem:$0x3FB6] =	sst s0;
	s0 =	simm.s32 @!p2 $0x0  }
0x16: {  	s3 =	sld [smem:$0x3FDB];
	s0 =	simm.s32 @p2 $0x1  }
0x17: {  	s4 =	simm.s32 $0x1BF5;
	[smem:$0x3FB8] =	sst s0  }
0x18: {  	s0 =	sld [smem:$0x3F9B];
	_ =	swait.ge [sflag:s4], $0x0  }
0x19: {  	s7 =	sld [smem:$0x3F9C]  }
0x1a: {  	s8 =	sadd.s32 $0xFFFFE003, lr  }
0x1b: {  	s9 =	sadd.s32 $0xFFFFFEF7, lr;
	s5 =	simm.s32 $0xFFFFFFFF;
	p2 =	slt.u32 s8, $0xFFFFF086  }
0x1c: {  	p1 =	slt.u32 s9, $0xF7A;
	s5 =	simm.s32 @!p2 $0x0  }
0x1d: {  	s5 =	simm.s32 @p1 $0x1;
	p0 =	seq.s32 s7, s2  }
0x1e: {  	s7 =	smul.u32 @!p0 $0xF7A, s2;
	p2 =	seq.s32 @!p0 s5, $0x0  }
0x1f: {  	s9 =	smul.u32 $0xF7A, s1;
	s8 =	simm.s32 @!p0 $0x1BF5;
	p2 =	por !p2, p0  }
0x20: {  	[sflag:s8] =	ssyncset.s32 @!p0 $0xFFFFF086;
	s6 =	sadd.s32 @!p0 s3, s7;
	s7 =	simm.s32 @!p0 $0x108  }
0x21: {  	s3 =	sadd.s32 s3, s9;
	s6 =	sadd.s32 @!p0 $0x88, s6;
	s7 =	simm.s32 @p2 $0x1082  }
0x22: {  	[simem:s7], [sflag:s8] =	dma.local @!p0 [hbm:s6], $0xF7A  }
0x23: {  	s9 =	sor.u32 $0xD0000000, s2;
	s6 =	simm.s32 $0x108;
	_ =	swait.ge @!p0 [sflag:s8], $0x0  }
0x24: {  	s3 =	sadd.s32 $0x88, s3;
	s6 =	simm.s32 @!p1 $0x1082;
	[sflag:s4] =	ssyncset.s32 $0xFFFFF086  }
0x25: {  	[simem:s6], [sflag:s4] =	dma.local [hbm:s3], $0xF7A  }
0x26: {  	[smem:$0x3F9C] =	sst s1;
	(tag) =	ssettag s2;
	_ =	strace s9  }
0x27: {  	s1 =	sld [smem:$0x3FAC]  }
0x28: {  	s2 =	sld [smem:$0x3FAD]  }
0x29: {  	s4 =	sld [smem:$0x3FAF]  }
0x2a: {  	p0 =	seq.s32 s5, $0x0;
	s5 =	sld [smem:$0x3FB0]  }
0x2b: {  	s6 =	sld [smem:$0x3FB1]  }
0x2c: {  	s7 =	sld [smem:$0x3FB2]  }
0x2d: {  	s3 =	simm.s32 $0x108;
	s8 =	sld [smem:$0x3FB3]  }
0x2e: {  	s3 =	simm.s32 @!p0 $0x1082;
	s9 =	sld [smem:$0x3FB4]  }
0x2f: {  	lr =	sadd.s32 s0, s3;
	s0 =	sld [smem:$0x3FAB]  }
0x30: {  	s3 =	sld [smem:$0x3FAE]  }
0x31: {  	[smem:$0x3FB7] =	sst s10  }
0x32: {  	s10 =	sld [smem:$0x3FB5];
	_ =	sdelay $0x3  }
0x33: {  	p0 =	seq.s32 s10, $0x1;
	s10 =	sld [smem:$0x3FB7];
	_ =	sdelay $0x3  }
0x34: {  	[smem:$0x3FB7] =	sst s10  }
0x35: {  	s10 =	sld [smem:$0x3FB6];
	_ =	sdelay $0x3  }
0x36: {  	p1 =	seq.s32 s10, $0x1;
	s10 =	sld [smem:$0x3FB7];
	_ =	sdelay $0x3  }
0x37: {  	[smem:$0x3FB7] =	sst s10  }
0x38: {  	s10 =	sld [smem:$0x3FB8]  }
0x39: {  	_ = 	snop;
	(pc) =	sbr.ind lr, $3  }
0x3a: {  	_ = 	snop  }
0x3b: {  	_ = 	snop  }
0x3c: {  	p2 =	seq.s32 s10, $0x1;
	s10 =	sld [smem:$0x3FB7]  }
0x3d: {  	_ =	shalt  }
0x3e: {  	_ =	shalt  }
0x3f: {  	_ =	shalt  }
0x40: {  	_ =	shalt  }
0x41: {  	_ =	shalt  }
0x42: {  	_ =	shalt  }
0x43: {  	_ =	shalt  }
0x44: {  	_ =	shalt  }
0x45: {  	_ =	shalt  }
0x46: {  	_ =	shalt  }
0x47: {  	_ =	shalt  }
0x48: {  	_ =	shalt  }
0x49: {  	_ =	shalt  }
0x4a: {  	_ =	shalt  }
0x4b: {  	_ =	shalt  }
0x4c: {  	_ =	shalt  }
0x4d: {  	_ =	shalt  }
0x4e: {  	_ =	shalt  }
0x4f: {  	_ =	shalt  }
0x50: {  	_ =	shalt  }
0x51: {  	_ =	shalt  }
0x52: {  	_ =	shalt  }
0x53: {  	_ =	shalt  }
0x54: {  	_ =	shalt  }
0x55: {  	_ =	shalt  }
0x56: {  	_ =	shalt  }
0x57: {  	_ =	shalt  }
0x58: {  	_ =	shalt  }
0x59: {  	_ =	shalt  }
0x5a: {  	_ =	shalt  }
0x5b: {  	_ =	shalt  }
0x5c: {  	_ =	shalt  }
0x5d: {  	_ =	shalt  }
0x5e: {  	_ =	shalt  }
0x5f: {  	_ =	shalt  }
0x60: {  	_ =	shalt  }
0x61: {  	_ =	shalt  }
0x62: {  	_ =	shalt  }
0x63: {  	_ =	shalt  }
0x64: {  	_ =	shalt  }
0x65: {  	_ =	shalt  }
0x66: {  	_ =	shalt  }
0x67: {  	_ =	shalt  }
0x68: {  	_ =	shalt  }
0x69: {  	_ =	shalt  }
0x6a: {  	_ =	shalt  }
0x6b: {  	_ =	shalt  }
0x6c: {  	_ =	shalt  }
0x6d: {  	_ =	shalt  }
0x6e: {  	_ =	shalt  }
0x6f: {  	_ =	shalt  }
0x70: {  	_ =	shalt  }
0x71: {  	_ =	shalt  }
0x72: {  	_ =	shalt  }
0x73: {  	_ =	shalt  }
0x74: {  	_ =	shalt  }
0x75: {  	_ =	shalt  }
0x76: {  	_ =	shalt  }
0x77: {  	_ =	shalt  }
0x78: {  	_ =	shalt  }
0x79: {  	_ =	shalt  }
0x7a: {  	_ =	shalt  }
0x7b: {  	_ =	shalt  }
0x7c: {  	_ =	shalt  }
0x7d: {  	_ =	shalt  }
0x7e: {  	_ =	shalt  }
0x7f: {  	_ =	shalt  }
0x80: {  	_ =	shalt  }
0x81: {  	_ =	shalt  }
0x82: {  	_ =	shalt  }
0x83: {  	_ =	shalt  }
0x84: {  	_ =	shalt  }
0x85: {  	_ =	shalt  }
0x86: {  	_ =	shalt  }
0x87: {  	_ =	shalt  }
.Lfunc_end0:
.L_simem_size_0:
called_computation_lowered:
.L_overlay_start_0:
0x88: {  	s0 =	sld [smem:$0x3FD9]  }
0x89: {  	s1 =	sld [smem:$0x3FFE];
	_ =	sdelay $0x3  }
0x8a: {  	s0 =	sadd.s32 s1, s0  }
0x8b: {  	[smem:$0x3FC3] =	sst s0  }
0x8c: {  	_ = 	snop  }
0x8d: {  	s0 =	sld [smem:$0x3FC9]  }
0x8e: {  	s16 =	sld [smem:$0x3FC8]  }
0x8f: {  	s2 =	sld [smem:$0x3FD0];
	(tm) =	ssettm $0x1  }
0x90: {  	s3 =	sld [smem:$0x3FFB];
	_ =	sdelay $0x3  }
0x91: {  	_ =	strace s3  }
0x92: {  	s3 =	sld [smem:$0x3FFC];
	_ =	sdelay $0x3  }
0x93: {  	_ =	strace s3  }
0x94: {  	s3 =	sld [smem:$0x3FFD];
	_ =	sdelay $0x3  }
0x95: {  	_ =	strace s3  }
0x96: {  	_ =	strace $0x8FFFFFFF  }
0x97: {  	s17 =	sld [smem:$0x3FDB];
	_ =	sdelay $0x1  }
0x98: {  	s4 =	simm.s32 $_scs_section_size  }
0x99: {  	s5 =	simm.s32 $_size__tile_overlayer_lowered;
	s6 =	simm.s32 $_tile_overlayer_lowered  }
0x9a: {  	s20 =	simm.s32 $0x1BFF;
	s19 =	sshll.u32 s6, $0x1;
	s3 =	sadd.s32 s4, s17  }
0x9b: {  	s7 =	simm.s32 $0x0;
	s18 =	sshll.u32 s5, $0x1;
	s5 =	sadd.s32 s19, s3  }
0x9c: {  	[timem:s7], [sflag:s20] =	dma.local [hbm:s5], s18  }
0x9d: {  	_ =	swait.ge [sflag:s20], s18  }
0x9e: {  	s4 =	ssub.s32 $0x0, s18;
	[sflag:s20] =	ssyncset.done $0x0  }
0x9f: {  	[sflag:s20] =	ssyncadd.s32 s4;
	_ =	sdelay $0x1  }
0xa0: {  	s21 =	simm.s32 $0x1B8B  }
0xa1: {  	_ =	swait.ge [sflag:s21], $0x1  }
0xa2: {  	[sflag:s21] =	ssyncset.done $0x0  }
0xa3: {  	s23 =	simm.s32 $0x1B8E;
	s22 =	sld [smem:$0x3FFE];
	[sflag:s21] =	ssyncadd.s32 $0xFFFFFFFF  }
0xa4: {  	s24 =	simm.s32 $execute0_lowered;
	[smem:$0x3FD2] =	sst s23  }
0xa5: {  	s5 =	sshll.u32 s24, $0x1;
	_ =	strace $0x80000046;
	[dreg:$0x1] =	wrdreg $0xFFFFFFFF  }
0xa6: {  	s25 =	simm.s32 $_size_execute0_lowered;
	s3 =	sadd.s32 s3, s5;
	[dreg:$0x0] =	wrdreg $0x0  }
0xa7: {  	s5 =	sshll.u32 s25, $0x1;
	[dreg:$0x2] =	wrdreg s3  }
0xa8: {  	[dreg:$0x3] =	wrdreg s5  }
0xa9: {  	[dreg:$0x4] =	wrdreg $0xC0  }
0xaa: {  	_ =	task [dreg:s7], $0x5FFFF  }
0xab: {  	[dreg:$0x1] =	wrdreg $0xFFFFFFFF  }
0xac: {  	[dreg:$0x0] =	wrdreg $0x60  }
0xad: {  	[dreg:$0x2] =	wrdreg s22  }
0xae: {  	[dreg:$0x3] =	wrdreg s0  }
0xaf: {  	[dreg:$0x4] =	wrdreg s16  }
0xb0: {  	[dreg:$0x5] =	wrdreg s2  }
0xb1: {  	[dreg:$0x6] =	wrdreg $0x9  }
0xb2: {  	_ =	task.clear_ibuf [dreg:s7], $0x7FFFF;
	_ =	strace $0x90000046  }
0xb3: {  	s26 =	simm.s32 $0x9;
	_ =	strace $0x80000048  }
0xb4: {  	_ =	swait.ge [sflag:s26], $0x1  }
0xb5: {  	[sflag:s26] =	ssyncadd.s32 $0xFFFFFFFF  }
0xb6: {  	_ =	strace $0x90000048  }
0xb7: {  	_ =	sfence  }
0xb8: {  	s28 =	sld [smem:$0x0];
	_ =	sdelay $0x1  }
0xb9: {  	s29 =	srdreg.scid  }
0xba: {  	s30 =	sshll.u32 s29, $0xD;
	s31 =	sshrl.u32 s29, $0x2  }
0xbb: {  	s1 =	sand.u32 $0x1, s29;
	s2 =	sand.u32 $0x4000, s30;
	s0 =	sadd.s32 s31, s28  }
0xbc: {  	s1 =	sor.u32 s2, s1;
	s0 =	sshll.u32 s0, $0x11  }
0xbd: {  	s0 =	sor.u32 s0, s1  }
0xbe: {  	s0 =	sadd.s32 $0x8F2B, s0  }
0xbf: {  	[sflag:s0] =	ssyncadd.remote.s32 $0x1  }
0xc0: {  	_ =	sfence.sel $0xFFFF  }
0xc1: {  	[dreg:$0x0] =	wrdreg $0xFFFFFFFF;
	(pc) =	sbr.abs _section_cstart, $3  }
0xc2: {  	[dreg:$0x1] =	wrdreg $0xFFFFFFFF  }
0xc3: {  	_ =	task.clear_ibuf [dreg:s7], $0x2FFFF;
	_ =	strace $0x9FFFFFFF  }
0xc4: {  	(tm) =	ssettm $0x7FFFFFFF  }
0xc5: {  	_ =	shalt  }
tec
execute0_lowered:
.L_overlay_start_1:
0x0: {  	(tag) =	ssettag $0x1  }
0x1: {  	s1 =	stileid.u32  }
0x2: {  	s3 =	rddreg [dreg:$0x0];
	p0 =	sgt.u32 s1, $0x7  }
.Ltmp0:
0x3: {  	s4 =	rddreg [dreg:$0x1];
	(pc) =	sbr.rel @p0 .LBB2_2-.Ltmp0, $4  }
0x4: {  	s6 =	rddreg [dreg:$0x2]  }
0x5: {  	s2 =	rddreg [dreg:$0x3];
	s5 =	simm.s32 $0x0  }
0x6: {  	[smem:$0x7FF] =	sst s5  }
0x7: {  	s0 =	rddreg [dreg:$0x4];
	_ =	strace $0x80000047  }
0x8: {  	s7 =	sshll.u32 s1, $0x7;
	s8 =	sshll.u32 s1, $0x2  }
0x9: {  	s21 =	sadd.s32 $0x800, s3;
	s7 =	sor.u32 s8, s7  }
0xa: {  	[tilespmem:s5], [sflag:$0x1] =	stream.linear.gather [hbm4b:s21+s5], $0x80, $0x38;
	[tilespmem:$0x680] =	vst v63  }
0xb: {  	s22 =	sand.u32 $0x190, s7  }
0xc: {  	s23 =	simm.s32 $0x100;
	s24 =	simm.s32 $0x80;
	s7 =	sadd.s32 s4, s22  }
0xd: {  	[tilespmem:s24], [sflag:$0x2] =	stream.strided.gather [hbm4b:s7+s24], $0x200, s23, s24, $0x38;
	[tilespmem:$0x680] =	vst v63  }
0xe: {  	s25 =	simm.s32 $0x280;
	s26 =	simm.s32 $0x1;
	s6 =	sadd.s32 s6, s22  }
0xf: {  	[tilespmem:s25], [sflag:$0x3] =	stream.strided.gather [hbm4b:s6+s24], $0x200, s23, s24, $0x38;
	[tilespmem:$0x680] =	vst v63  }
0x10: {  	_ =	swait.ge [sflag:s26], $0x80  }
0x11: {  	[sflag:s26] =	ssyncset.done $0x0  }
0x12: {  	s28 =	simm.s32 $0x2;
	[sflag:s26] =	ssyncadd.s32 $0xFFFFFF80  }
0x13: {  	_ =	swait.ge [sflag:s28], $0x200  }
0x14: {  	[sflag:s28] =	ssyncset.done $0x0  }
0x15: {  	s29 =	simm.s32 $0x3;
	[sflag:s28] =	ssyncadd.s32 $0xFFFFFE00  }
0x16: {  	_ =	swait.ge [sflag:s29], $0x200  }
0x17: {  	[sflag:s29] =	ssyncset.done $0x0  }
0x18: {  	[sflag:s29] =	ssyncadd.s32 $0xFFFFFE00  }
0x19: {  	v0 =	vld [tilespmem:$0x0]  }
0x1a: {  	v1 =	vld [tilespmem:$0x80]  }
0x1b: {  	v2 =	vld [tilespmem:$0x280]  }
0x1c: {  	v3 =	vld [tilespmem:$0x90]  }
0x1d: {  	v4 =	vld [tilespmem:$0x290]  }
0x1e: {  	v5 =	vld [tilespmem:$0xA0]  }
0x1f: {  	v6 =	vld [tilespmem:$0x2A0]  }
0x20: {  	v7 =	vld [tilespmem:$0xB0]  }
0x21: {  	v8 =	vld [tilespmem:$0x2B0]  }
0x22: {  	v9 =	vld [tilespmem:$0xC0]  }
0x23: {  	v10 =	vld [tilespmem:$0x2C0]  }
0x24: {  	v11 =	vld [tilespmem:$0xD0]  }
0x25: {  	v12 =	vld [tilespmem:$0x2D0]  }
0x26: {  	v13 =	vld [tilespmem:$0xE0]  }
0x27: {  	v14 =	vld [tilespmem:$0x2E0]  }
0x28: {  	v15 =	vld [tilespmem:$0xF0]  }
0x29: {  	v16 =	vld [tilespmem:$0x2F0]  }
0x2a: {  	v17 =	vld [tilespmem:$0x100]  }
0x2b: {  	v18 =	vld [tilespmem:$0x300]  }
0x2c: {  	v19 =	vld [tilespmem:$0x110]  }
0x2d: {  	v20 =	vld [tilespmem:$0x310]  }
0x2e: {  	v21 =	vld [tilespmem:$0x120]  }
0x2f: {  	v22 =	vld [tilespmem:$0x320]  }
0x30: {  	v23 =	vld [tilespmem:$0x130]  }
0x31: {  	v24 =	vld [tilespmem:$0x330]  }
0x32: {  	v25 =	vld [tilespmem:$0x140]  }
0x33: {  	v26 =	vld [tilespmem:$0x340]  }
0x34: {  	v27 =	vld [tilespmem:$0x150]  }
0x35: {  	v48 =	vld [tilespmem:$0x350];
	vm0 =	veq.f32 v1, $2.000000000e+00;
	vm1 =	vlt.f32 v2, $1.000000010e-01  }
0x36: {  	v49 =	vld [tilespmem:$0x160];
	vm12 =	veq.f32 v3, $2.000000000e+00;
	vm2 =	vlt.f32 v4, $1.000000010e-01;
	vm13 =	veq.f32 v5, $2.000000000e+00  }
0x37: {  	v50 =	vld [tilespmem:$0x360];
	vm3 =	vlt.f32 v6, $1.000000010e-01;
	vm15 =	veq.f32 v7, $2.000000000e+00;
	vm4 =	vlt.f32 v8, $1.000000010e-01  }
0x38: {  	v28 =	vld [tilespmem:$0x170];
	vm5 =	veq.f32 v9, $2.000000000e+00;
	vm6 =	vlt.f32 v10, $1.000000010e-01;
	vm7 =	veq.f32 v11, $2.000000000e+00  }
0x39: {  	v51 =	vld [tilespmem:$0x370];
	vm8 =	vlt.f32 v12, $1.000000010e-01;
	vm10 =	veq.f32 v13, $2.000000000e+00;
	vm11 =	vlt.f32 v14, $1.000000010e-01  }
0x3a: {  	v52 =	vld [tilespmem:$0x180];
	vm0 =	vmand vm0, vm1;
	vm1 =	vmand vm12, vm2;
	vm14 =	vmand vm13, vm3  }
0x3b: {  	v53 =	vld [tilespmem:$0x380];
	vm9 =	vmand vm7, vm8;
	vm12 =	veq.f32 v15, $2.000000000e+00;
	vm13 =	vlt.f32 v16, $1.000000010e-01  }
0x3c: {  	v29 =	vld [tilespmem:$0x190];
	vm7 =	veq.f32 v19, $2.000000000e+00;
	vm8 =	vlt.f32 v20, $1.000000010e-01;
	v1 =	vsel vm0, v0, v1  }
0x3d: {  	v54 =	vld [tilespmem:$0x390];
	v3 =	vsel vm1, v0, v3;
	v5 =	vsel vm14, v0, v5;
	vm0 =	vmand vm15, vm4  }
0x3e: {  	v55 =	vld [tilespmem:$0x1A0];
	vm1 =	vmand vm5, vm6;
	v11 =	vsel vm9, v0, v11;
	vm14 =	veq.f32 v17, $2.000000000e+00  }
0x3f: {  	v56 =	vld [tilespmem:$0x3A0];
	vm15 =	vlt.f32 v18, $1.000000010e-01;
	vm9 =	veq.f32 v21, $2.000000000e+00;
	vm4 =	veq.f32 v27, $2.000000000e+00  }
0x40: {  	v30 =	vld [tilespmem:$0x1B0];
	vm5 =	vlt.f32 v48, $1.000000010e-01;
	v7 =	vsel vm0, v0, v7;
	v9 =	vsel vm1, v0, v9  }
0x41: {  	v57 =	vld [tilespmem:$0x3B0];
	vm0 =	vmand vm10, vm11;
	vm1 =	vmand vm12, vm13;
	vm6 =	vmand vm14, vm15  }
0x42: {  	v58 =	vld [tilespmem:$0x1C0];
	[tilespmem:$0x480] =	vst v1;
	vm10 =	vlt.f32 v22, $1.000000010e-01;
	vm11 =	veq.f32 v23, $2.000000000e+00;
	vm12 =	vlt.f32 v24, $1.000000010e-01  }
0x43: {  	v59 =	vld [tilespmem:$0x3C0];
	[tilespmem:$0x490] =	vst v3;
	vm14 =	veq.f32 v25, $2.000000000e+00;
	vm15 =	vlt.f32 v26, $1.000000010e-01;
	v13 =	vsel vm0, v0, v13  }
0x44: {  	v62 =	vld [tilespmem:$0x1D0];
	[tilespmem:$0x4A0] =	vst v5;
	v15 =	vsel vm1, v0, v15;
	v17 =	vsel vm6, v0, v17;
	vm0 =	vmand vm7, vm8  }
0x45: {  	v31 =	vld [tilespmem:$0x3E0];
	[tilespmem:$0x4D0] =	vst v11;
	vm1 =	vmand vm9, vm10;
	vm13 =	vmand vm11, vm12;
	vm6 =	veq.f32 v49, $2.000000000e+00  }
0x46: {  	v34 =	vld [tilespmem:$0x1F0];
	[tilespmem:$0x4B0] =	vst v7;
	vm7 =	vlt.f32 v50, $1.000000010e-01;
	vm9 =	veq.f32 v28, $2.000000000e+00;
	vm10 =	vlt.f32 v51, $1.000000010e-01  }
0x47: {  	v35 =	vld [tilespmem:$0x3F0];
	[tilespmem:$0x4C0] =	vst v9;
	vm11 =	veq.f32 v52, $2.000000000e+00;
	vm12 =	vlt.f32 v53, $1.000000010e-01;
	v60 =	vsel vm0, v0, v19  }
0x48: {  	v36 =	vld [tilespmem:$0x200];
	v61 =	vsel vm1, v0, v21;
	v63 =	vsel vm13, v0, v23;
	vm0 =	vmand vm14, vm15;
	[tilespmem:$0x4E0] =	vst v13  }
0x49: {  	v37 =	vld [tilespmem:$0x400];
	vm1 =	vmand vm4, vm5;
	vm8 =	vmand vm6, vm7;
	[tilespmem:$0x4F0] =	vst v15;
	vm13 =	veq.f32 v29, $2.000000000e+00  }
0x4a: {  	v39 =	vld [tilespmem:$0x210];
	[tilespmem:$0x500] =	vst v17;
	vm14 =	vlt.f32 v54, $1.000000010e-01;
	vm4 =	veq.f32 v55, $2.000000000e+00;
	vm5 =	vlt.f32 v56, $1.000000010e-01  }
0x4b: {  	v41 =	vld [tilespmem:$0x410];
	vm6 =	veq.f32 v30, $2.000000000e+00;
	vm7 =	vlt.f32 v57, $1.000000010e-01;
	v32 =	vsel vm0, v0, v25;
	[tilespmem:$0x510] =	vst v60  }
0x4c: {  	v42 =	vld [tilespmem:$0x220];
	v33 =	vsel vm1, v0, v27;
	v4 =	vsel vm8, v0, v49;
	vm0 =	vmand vm9, vm10;
	[tilespmem:$0x520] =	vst v61  }
0x4d: {  	v24 =	vld [tilespmem:$0x3D0];
	vm1 =	vmand vm11, vm12;
	vm15 =	vmand vm13, vm14;
	[tilespmem:$0x530] =	vst v63;
	vm8 =	veq.f32 v58, $2.000000000e+00  }
0x4e: {  	v26 =	vld [tilespmem:$0x1E0];
	vm9 =	vlt.f32 v59, $1.000000010e-01;
	vm11 =	veq.f32 v62, $2.000000000e+00;
	vm14 =	vlt.f32 v31, $1.000000010e-01;
	[tilespmem:$0x540] =	vst v32  }
0x4f: {  	v47 =	vld [tilespmem:$0x430];
	v38 =	vsel vm0, v0, v28;
	v10 =	vsel vm1, v0, v52;
	v40 =	vsel vm15, v0, v29;
	[tilespmem:$0x550] =	vst v33  }
0x50: {  	v46 =	vld [tilespmem:$0x230];
	vm0 =	vmand vm4, vm5;
	vm1 =	vmand vm6, vm7;
	[tilespmem:$0x560] =	vst v4;
	vm10 =	vmand vm8, vm9  }
0x51: {  	v43 =	vld [tilespmem:$0x420];
	vm15 =	veq.f32 v34, $2.000000000e+00;
	vm6 =	vlt.f32 v35, $1.000000010e-01;
	vm8 =	veq.f32 v36, $2.000000000e+00;
	[tilespmem:$0x570] =	vst v38  }
0x52: {  	v48 =	vld [tilespmem:$0x240];
	vm9 =	vlt.f32 v37, $1.000000010e-01;
	v44 =	vsel vm0, v0, v55;
	v45 =	vsel vm1, v0, v30;
	[tilespmem:$0x580] =	vst v10  }
0x53: {  	v53 =	vld [tilespmem:$0x450];
	v1 =	vsel vm10, v0, v58;
	vm12 =	vlt.f32 v24, $1.000000010e-01;
	vm13 =	veq.f32 v26, $2.000000000e+00;
	[tilespmem:$0x590] =	vst v40  }
0x54: {  	v51 =	vld [tilespmem:$0x250];
	vm7 =	vmand vm15, vm6;
	vm10 =	veq.f32 v39, $2.000000000e+00;
	vm15 =	vlt.f32 v47, $1.000000010e-01;
	[tilespmem:$0x5A0] =	vst v44  }
0x55: {  	v56 =	vld [tilespmem:$0x460];
	vm6 =	veq.f32 v46, $2.000000000e+00;
	vm0 =	vmand vm11, vm12;
	vm1 =	vmand vm13, vm14;
	[tilespmem:$0x5B0] =	vst v45  }
0x56: {  	v49 =	vld [tilespmem:$0x440];
	v52 =	vsel vm7, v0, v34;
	[tilespmem:$0x5C0] =	vst v1;
	vm11 =	vlt.f32 v41, $1.000000010e-01;
	vm13 =	vlt.f32 v43, $1.000000010e-01  }
0x57: {  	v54 =	vld [tilespmem:$0x260];
	vm14 =	veq.f32 v42, $2.000000000e+00;
	v50 =	vsel vm0, v0, v62;
	v2 =	vsel vm1, v0, v26;
	[tilespmem:$0x5F0] =	vst v52  }
0x58: {  	v59 =	vld [tilespmem:$0x470];
	vm0 =	vmand vm8, vm9;
	vm12 =	vmand vm10, vm11;
	vm8 =	vlt.f32 v53, $1.000000010e-01;
	[tilespmem:$0x5D0] =	vst v50  }
0x59: {  	v58 =	vld [tilespmem:$0x270];
	vm1 =	vmand vm6, vm15;
	vm9 =	veq.f32 v48, $2.000000000e+00;
	v55 =	vsel vm0, v0, v36;
	[tilespmem:$0x5E0] =	vst v2  }
0x5a: {  	vm10 =	veq.f32 v51, $2.000000000e+00;
	vm11 =	vlt.f32 v56, $1.000000010e-01;
	v57 =	vsel vm12, v0, v39;
	[tilespmem:$0x600] =	vst v55  }
0x5b: {  	vm0 =	vmand vm14, vm13;
	vm7 =	vlt.f32 v49, $1.000000010e-01;
	v61 =	vsel vm1, v0, v46;
	[tilespmem:$0x610] =	vst v57  }
0x5c: {  	vm12 =	veq.f32 v54, $2.000000000e+00;
	v60 =	vsel vm0, v0, v42;
	vm1 =	vmand vm9, vm7;
	[tilespmem:$0x630] =	vst v61  }
0x5d: {  	vm13 =	vlt.f32 v59, $1.000000010e-01;
	vm0 =	vmand vm10, vm8;
	[tilespmem:$0x620] =	vst v60;
	v62 =	vsel vm1, v0, v48  }
0x5e: {  	v63 =	vsel vm0, v0, v51;
	vm0 =	vmand vm12, vm11;
	vm14 =	veq.f32 v58, $2.000000000e+00;
	[tilespmem:$0x640] =	vst v62  }
0x5f: {  	v1 =	vsel vm0, v0, v54;
	[tilespmem:$0x650] =	vst v63;
	vm15 =	vmand vm14, vm13  }
0x60: {  	[tilespmem:$0x660] =	vst v1;
	v0 =	vsel vm15, v0, v58  }
0x61: {  	s30 =	simm.s32 $0x480;
	s31 =	simm.s32 $0x4;
	s2 =	sadd.s32 s2, s22;
	[tilespmem:$0x670] =	vst v0  }
0x62: {  	[hbm4b:s2+s24] =	stream.strided.scatter [tilespmem:s30], [sflag:$0x4], $0x200, s23, s24, $0x38;
	[tilespmem:$0x680] =	vst v63  }
0x63: {  	_ =	swait.ge [sflag:s31], $0x200  }
0x64: {  	[sflag:s31] =	ssyncset.done $0x0  }
0x65: {  	[sflag:s31] =	ssyncadd.s32 $0xFFFFFE00  }
.LBB2_2:
0x66: {  	_ =	sfence.sel $0x180000  }
0x67: {  	[bflag:$0x0] =	sbarrier.arrive $0xFFFF  }
0x68: {  	p0 =	sne.s32 s1, $0x0;
	_ =	strace $0x90000047  }
0x69: {  	s0 =	sadd.s32 @!p0 $0x100000, s0;
	[bflag:$0x2] =	sbarrier.arrive $0xFFFF  }
0x6a: {  	[sflag:s0] =	ssyncadd.tile.s32 @!p0 $0x1;
	_ =	shalt  }
.Lfunc_end2:
_tile_overlayer_lowered:
.L_overlay_start_2:
0x6b: {  	(tag) =	ssettag $0x2  }
0x6c: {  	s0 =	rddreg [dreg:$0x0];
	s2 =	stileid.u32  }
0x6d: {  	s1 =	rddreg [dreg:$0x1];
	p0 =	sne.s32 s2, $0x0  }
0x6e: {  	s3 =	rddreg [dreg:$0x2];
	[bflag:$0x3] =	sbarrier.arrive $0xFFFF;
	s2 =	simm.s32 @!p0 $0x1C04  }
0x6f: {  	[timem:s3], [sflag:s2] =	dma.local @!p0 [hbm:s0], s1  }
0x70: {  	s0 =	simm.s32 @!p0 $0x4  }
0x71: {  	_ =	swait.ge @!p0 [sflag:s0], s1  }
0x72: {  	s1 =	ssub.s32 @!p0 $0x0, s1;
	[sflag:s0] =	ssyncset.done @!p0 $0x0  }
0x73: {  	[sflag:s0] =	ssyncadd.s32 @!p0 s1  }
0x74: {  	[bflag:$0x3] =	sbarrier.arrive $0xFFFF  }
0x75: {  	_ =	shalt  }

</sc_bundles>
